<compile_context>
chip_gen: v7x
topology: tpu7x:2x2x1
jax: 0.10.2.dev20260603
libtpu: 0.0.44.dev20260713+nightly
codegen_flags: <defaults>
</compile_context>

<pallas_src>
import jax
import jax.numpy as jnp
from jax import lax
from jax.experimental import pallas as pl
from jax.experimental.pallas import tpu as pltpu
from jax.experimental.pallas import tpu_sc as plsc

NUM_COLORS = 100
NUM_SHAPES = 100
D = 128
BATCH = 16384

NC = 2
NS = 16
NW = NC * NS
BPW = BATCH // NW
CHUNK = 128
NCH = BPW // CHUNK
PAIR = 2 * CHUNK
NP = 2 * BPW // PAIR


NRB = 3


def _body(color_tbl, shape_tbl, cidx, sidx, out, idx_v, ctbl_v, stbl_v,
          rows_v, gsem, wsem, isem):
    wid = lax.axis_index("s") * NC + lax.axis_index("c")
    base = wid * BPW

    i0 = pltpu.async_copy(cidx.at[wid], idx_v.at[0], isem.at[0])
    i1 = pltpu.async_copy(sidx.at[wid], idx_v.at[1], isem.at[1])
    @pl.when(lax.axis_index("s") == 0)
    def _stage():
        s0 = pltpu.async_copy(color_tbl, ctbl_v, isem.at[2])
        s1 = pltpu.async_copy(shape_tbl, stbl_v, isem.at[3])
        s0.wait()
        s1.wait()
    i0.wait()
    i1.wait()
    plsc.subcore_barrier()

    tbls = (ctbl_v, ctbl_v, stbl_v, stbl_v)
    g = [None] * (2 * NCH)
    w = [None] * NP

    def fire_gathers(p):
        b = p % NRB
        t, half = p // 2, p % 2
        for h in range(2):
            j = 2 * half + h
            g[2 * p + h] = pltpu.async_copy(
                tbls[p].at[idx_v.at[t, j]],
                rows_v.at[b, pl.ds(h * CHUNK, CHUNK)],
                gsem.at[b, h])

    def fire_write(p):
        b = p % NRB
        t, half = p // 2, p % 2
        return pltpu.async_copy(
            rows_v.at[b],
            out.at[t, pl.ds(base + half * PAIR, PAIR)],
            wsem.at[b])

    for p in range(NP):
        if p >= NRB:
            w[p - NRB].wait()
        fire_gathers(p)
        if p >= 1:
            g[2 * p - 2].wait()
            g[2 * p - 1].wait()
            w[p - 1] = fire_write(p - 1)
    g[2 * NP - 2].wait()
    g[2 * NP - 1].wait()
    w[NP - 1] = fire_write(NP - 1)
    for p in range(max(0, NP - NRB), NP):
        w[p].wait()


def kernel(color_tbl, shape_tbl, color_idx, shape_idx):
    cidx = color_idx.reshape(NW, NCH, CHUNK)
    sidx = shape_idx.reshape(NW, NCH, CHUNK)
    mesh = plsc.VectorSubcoreMesh(core_axis_name="c", subcore_axis_name="s")
    f = pl.kernel(
        _body,
        out_type=jax.ShapeDtypeStruct((2, BATCH, D), jnp.float32),
        mesh=mesh,
        scratch_types=[
            pltpu.VMEM((2, NCH, CHUNK), jnp.int32),
            pltpu.VMEM_SHARED((NUM_COLORS, D), jnp.float32),
            pltpu.VMEM_SHARED((NUM_SHAPES, D), jnp.float32),
            pltpu.VMEM((NRB, PAIR, D), jnp.float32),
            pltpu.SemaphoreType.DMA((NRB, 2)),
            pltpu.SemaphoreType.DMA((NRB,)),
            pltpu.SemaphoreType.DMA((4,)),
        ],
    )
    return f(color_tbl, shape_tbl, cidx, sidx)

# --- scband reference (transcript-rebuilt; emitter-appended) ---
"""Pipeline reference for scband-symbol-bank-46574625358441 (READ-ONLY COPY).

The authoritative reference and input builder live on the scoring server;
editing this copy changes nothing except your own understanding.
"""

import jax, jax.numpy as jnp
import numpy as np

NUM_COLORS = 100
NUM_SHAPES = 100
D = 128
BATCH = 16384

def setup_inputs(seed: int = 0) -> dict:
    key = jax.random.key(seed)
    k1, k2, k3, k4 = jax.random.split(key, 4)
    color_tbl = jax.random.normal(k1, (NUM_COLORS, D), dtype=jnp.float32)
    shape_tbl = jax.random.normal(k2, (NUM_SHAPES, D), dtype=jnp.float32)
    color_idx = jax.random.randint(k3, (BATCH,), 0, NUM_COLORS)
    shape_idx = jax.random.randint(k4, (BATCH,), 0, NUM_SHAPES)
    return {"color_tbl": color_tbl, "shape_tbl": shape_tbl, "color_idx": color_idx, "shape_idx": shape_idx}

def reference(color_tbl, shape_tbl, color_idx, shape_idx):
    # SymbolBank.color(name) -> color_tbl[index]; SymbolBank.shape(name) -> shape_tbl[index]
    # Batched/vectorized form of the per-name row lookups: a pure embedding gather.
    c = jnp.take(color_tbl, color_idx, axis=0)
    s = jnp.take(shape_tbl, shape_idx, axis=0)
    return jnp.stack([c, s], axis=0)

if __name__ == "__main__":
    import jax
    _d = setup_inputs()
    print(jax.jit(kernel)(*tuple(_d.values())))

</pallas_src>

<mosaic_0001>
#map = affine_map<(d0, d1) -> (0, 0)>
#map1 = affine_map<(d0, d1) -> (0, 0, 0)>
module attributes {stable_mosaic.version = 14 : i64} {
  func.func @_body(%arg0: i32, %arg1: i32, %arg2: memref<100x128xf32, #tpu.memory_space<hbm>>, %arg3: memref<100x128xf32, #tpu.memory_space<hbm>>, %arg4: memref<32x4x128xi32, #tpu.memory_space<hbm>>, %arg5: memref<32x4x128xi32, #tpu.memory_space<hbm>>, %arg6: memref<2x16384x128xf32, #tpu.memory_space<hbm>>, %arg7: memref<2x4x128xi32, #tpu.memory_space<vmem>>, %arg8: memref<100x128xf32, #tpu.memory_space<vmem_shared>>, %arg9: memref<100x128xf32, #tpu.memory_space<vmem_shared>>, %arg10: memref<3x256x128xf32, #tpu.memory_space<vmem>>, %arg11: memref<3x2x!tpu.dma_semaphore, #tpu.memory_space<semaphore_mem>>, %arg12: memref<3x!tpu.dma_semaphore, #tpu.memory_space<semaphore_mem>>, %arg13: memref<4x!tpu.dma_semaphore, #tpu.memory_space<semaphore_mem>>) attributes {dimension_semantics = [#tpu.dimension_semantics<core_parallel>, #tpu.dimension_semantics<subcore_parallel>], iteration_bounds = array<i64: 2, 16>, scalar_prefetch = 0 : i64, scratch_operands = 7 : i64, tpu.core_type = #tpu.core_type<sc_vector_subcore>, window_params = [{transform_indices = #map}, {transform_indices = #map}, {transform_indices = #map1}, {transform_indices = #map1}, {transform_indices = #map1}]} {
    %mul3A = arith.constant 2 : i32
    %mul3A_0 = arith.muli %arg1, %mul3A : i32
    %add3A = arith.addi %mul3A_0, %arg0 : i32
    %mul3A_1 = arith.constant 512 : i32
    %mul3A_2 = arith.muli %add3A, %mul3A_1 : i32
    %dma_start3A = arith.constant 0 : i32
    %dma_start3A_3 = arith.constant 0 : i32
    %dma_start3A_4 = arith.constant 0 : i32
    %dma_start3A_5 = arith.constant 0 : i32
    %dma_start3A_6 = tpu.memref_slice %arg7[%dma_start3A, %dma_start3A_4, %dma_start3A_5] : memref<2x4x128xi32, #tpu.memory_space<vmem>> -> memref<1x4x128xi32, #tpu.memory_space<vmem>>
    %dma_start3A_7 = tpu.memref_squeeze %dma_start3A_6 : memref<1x4x128xi32, #tpu.memory_space<vmem>> -> memref<4x128xi32, #tpu.memory_space<vmem>>
    %dma_start3A_8 = arith.constant 0 : i32
    %dma_start3A_9 = arith.constant 0 : i32
    %dma_start3A_10 = tpu.memref_slice %arg4[%add3A, %dma_start3A_8, %dma_start3A_9] : memref<32x4x128xi32, #tpu.memory_space<hbm>> -> memref<1x4x128xi32, #tpu.memory_space<hbm>>
    %dma_start3A_11 = tpu.memref_squeeze %dma_start3A_10 : memref<1x4x128xi32, #tpu.memory_space<hbm>> -> memref<4x128xi32, #tpu.memory_space<hbm>>
    %dma_start3A_12 = tpu.memref_slice %arg13[%dma_start3A_3] : memref<4x!tpu.dma_semaphore, #tpu.memory_space<semaphore_mem>> -> memref<1x!tpu.dma_semaphore, #tpu.memory_space<semaphore_mem>>
    %dma_start3A_13 = tpu.memref_squeeze %dma_start3A_12 : memref<1x!tpu.dma_semaphore, #tpu.memory_space<semaphore_mem>> -> memref<!tpu.dma_semaphore, #tpu.memory_space<semaphore_mem>>
    %dma_start3A_14 = arith.constant 0 : i32
    %dma_start3A_15 = arith.constant 0 : i32
    %dma_start3A_16 = tpu.memref_slice %arg7[%dma_start3A, %dma_start3A_14, %dma_start3A_15] : memref<2x4x128xi32, #tpu.memory_space<vmem>> -> memref<1x4x128xi32, #tpu.memory_space<vmem>>
    %dma_start3A_17 = tpu.memref_squeeze %dma_start3A_16 : memref<1x4x128xi32, #tpu.memory_space<vmem>> -> memref<4x128xi32, #tpu.memory_space<vmem>>
    %dma_start3A_18 = arith.constant 0 : i32
    %dma_start3A_19 = arith.constant 0 : i32
    %dma_start3A_20 = tpu.memref_slice %arg4[%add3A, %dma_start3A_18, %dma_start3A_19] : memref<32x4x128xi32, #tpu.memory_space<hbm>> -> memref<1x4x128xi32, #tpu.memory_space<hbm>>
    %dma_start3A_21 = tpu.memref_squeeze %dma_start3A_20 : memref<1x4x128xi32, #tpu.memory_space<hbm>> -> memref<4x128xi32, #tpu.memory_space<hbm>>
    tpu.enqueue_dma source(%dma_start3A_21 : memref<4x128xi32, #tpu.memory_space<hbm>>) target(%dma_start3A_17 : memref<4x128xi32, #tpu.memory_space<vmem>>) target_semaphore(%dma_start3A_13 : memref<!tpu.dma_semaphore, #tpu.memory_space<semaphore_mem>>)
    %dma_start3A_22 = arith.constant 1 : i32
    %dma_start3A_23 = arith.constant 1 : i32
    %dma_start3A_24 = arith.constant 0 : i32
    %dma_start3A_25 = arith.constant 0 : i32
    %dma_start3A_26 = tpu.memref_slice %arg7[%dma_start3A_22, %dma_start3A_24, %dma_start3A_25] : memref<2x4x128xi32, #tpu.memory_space<vmem>> -> memref<1x4x128xi32, #tpu.memory_space<vmem>>
    %dma_start3A_27 = tpu.memref_squeeze %dma_start3A_26 : memref<1x4x128xi32, #tpu.memory_space<vmem>> -> memref<4x128xi32, #tpu.memory_space<vmem>>
    %dma_start3A_28 = arith.constant 0 : i32
    %dma_start3A_29 = arith.constant 0 : i32
    %dma_start3A_30 = tpu.memref_slice %arg5[%add3A, %dma_start3A_28, %dma_start3A_29] : memref<32x4x128xi32, #tpu.memory_space<hbm>> -> memref<1x4x128xi32, #tpu.memory_space<hbm>>
    %dma_start3A_31 = tpu.memref_squeeze %dma_start3A_30 : memref<1x4x128xi32, #tpu.memory_space<hbm>> -> memref<4x128xi32, #tpu.memory_space<hbm>>
    %dma_start3A_32 = tpu.memref_slice %arg13[%dma_start3A_23] : memref<4x!tpu.dma_semaphore, #tpu.memory_space<semaphore_mem>> -> memref<1x!tpu.dma_semaphore, #tpu.memory_space<semaphore_mem>>
    %dma_start3A_33 = tpu.memref_squeeze %dma_start3A_32 : memref<1x!tpu.dma_semaphore, #tpu.memory_space<semaphore_mem>> -> memref<!tpu.dma_semaphore, #tpu.memory_space<semaphore_mem>>
    %dma_start3A_34 = arith.constant 0 : i32
    %dma_start3A_35 = arith.constant 0 : i32
    %dma_start3A_36 = tpu.memref_slice %arg7[%dma_start3A_22, %dma_start3A_34, %dma_start3A_35] : memref<2x4x128xi32, #tpu.memory_space<vmem>> -> memref<1x4x128xi32, #tpu.memory_space<vmem>>
    %dma_start3A_37 = tpu.memref_squeeze %dma_start3A_36 : memref<1x4x128xi32, #tpu.memory_space<vmem>> -> memref<4x128xi32, #tpu.memory_space<vmem>>
    %dma_start3A_38 = arith.constant 0 : i32
    %dma_start3A_39 = arith.constant 0 : i32
    %dma_start3A_40 = tpu.memref_slice %arg5[%add3A, %dma_start3A_38, %dma_start3A_39] : memref<32x4x128xi32, #tpu.memory_space<hbm>> -> memref<1x4x128xi32, #tpu.memory_space<hbm>>
    %dma_start3A_41 = tpu.memref_squeeze %dma_start3A_40 : memref<1x4x128xi32, #tpu.memory_space<hbm>> -> memref<4x128xi32, #tpu.memory_space<hbm>>
    tpu.enqueue_dma source(%dma_start3A_41 : memref<4x128xi32, #tpu.memory_space<hbm>>) target(%dma_start3A_37 : memref<4x128xi32, #tpu.memory_space<vmem>>) target_semaphore(%dma_start3A_33 : memref<!tpu.dma_semaphore, #tpu.memory_space<semaphore_mem>>)
    %eq3A = arith.constant 0 : i32
    %eq3A_42 = arith.cmpi eq, %arg1, %eq3A : i32
    %convert_element_type3A = arith.extui %eq3A_42 : i1 to i32
    %cond3A = arith.constant 0 : i32
    %cond3A_43 = arith.cmpi ne, %convert_element_type3A, %cond3A : i32
    scf.if %cond3A_43 {
      %dma_start3A_515 = arith.constant 2 : i32
      %dma_start3A_516 = tpu.memref_slice %arg13[%dma_start3A_515] : memref<4x!tpu.dma_semaphore, #tpu.memory_space<semaphore_mem>> -> memref<1x!tpu.dma_semaphore, #tpu.memory_space<semaphore_mem>>
      %dma_start3A_517 = tpu.memref_squeeze %dma_start3A_516 : memref<1x!tpu.dma_semaphore, #tpu.memory_space<semaphore_mem>> -> memref<!tpu.dma_semaphore, #tpu.memory_space<semaphore_mem>>
      tpu.enqueue_dma source(%arg2 : memref<100x128xf32, #tpu.memory_space<hbm>>) target(%arg8 : memref<100x128xf32, #tpu.memory_space<vmem_shared>>) target_semaphore(%dma_start3A_517 : memref<!tpu.dma_semaphore, #tpu.memory_space<semaphore_mem>>)
      %dma_start3A_518 = arith.constant 3 : i32
      %dma_start3A_519 = tpu.memref_slice %arg13[%dma_start3A_518] : memref<4x!tpu.dma_semaphore, #tpu.memory_space<semaphore_mem>> -> memref<1x!tpu.dma_semaphore, #tpu.memory_space<semaphore_mem>>
      %dma_start3A_520 = tpu.memref_squeeze %dma_start3A_519 : memref<1x!tpu.dma_semaphore, #tpu.memory_space<semaphore_mem>> -> memref<!tpu.dma_semaphore, #tpu.memory_space<semaphore_mem>>
      tpu.enqueue_dma source(%arg3 : memref<100x128xf32, #tpu.memory_space<hbm>>) target(%arg9 : memref<100x128xf32, #tpu.memory_space<vmem_shared>>) target_semaphore(%dma_start3A_520 : memref<!tpu.dma_semaphore, #tpu.memory_space<semaphore_mem>>)
      %dma_wait3A_521 = arith.constant 2 : i32
      %dma_wait3A_522 = tpu.memref_slice %arg13[%dma_wait3A_521] : memref<4x!tpu.dma_semaphore, #tpu.memory_space<semaphore_mem>> -> memref<1x!tpu.dma_semaphore, #tpu.memory_space<semaphore_mem>>
      %dma_wait3A_523 = tpu.memref_squeeze %dma_wait3A_522 : memref<1x!tpu.dma_semaphore, #tpu.memory_space<semaphore_mem>> -> memref<!tpu.dma_semaphore, #tpu.memory_space<semaphore_mem>>
      tpu.wait_dma2 semaphore(%dma_wait3A_523 : memref<!tpu.dma_semaphore, #tpu.memory_space<semaphore_mem>>) src(%arg2 : memref<100x128xf32, #tpu.memory_space<hbm>>) dst(%arg8 : memref<100x128xf32, #tpu.memory_space<vmem_shared>>)
      %dma_wait3A_524 = arith.constant 3 : i32
      %dma_wait3A_525 = tpu.memref_slice %arg13[%dma_wait3A_524] : memref<4x!tpu.dma_semaphore, #tpu.memory_space<semaphore_mem>> -> memref<1x!tpu.dma_semaphore, #tpu.memory_space<semaphore_mem>>
      %dma_wait3A_526 = tpu.memref_squeeze %dma_wait3A_525 : memref<1x!tpu.dma_semaphore, #tpu.memory_space<semaphore_mem>> -> memref<!tpu.dma_semaphore, #tpu.memory_space<semaphore_mem>>
      tpu.wait_dma2 semaphore(%dma_wait3A_526 : memref<!tpu.dma_semaphore, #tpu.memory_space<semaphore_mem>>) src(%arg3 : memref<100x128xf32, #tpu.memory_space<hbm>>) dst(%arg9 : memref<100x128xf32, #tpu.memory_space<vmem_shared>>)
    } else {
    }
    %dma_wait3A = arith.constant 0 : i32
    %dma_wait3A_44 = arith.constant 0 : i32
    %dma_wait3A_45 = arith.constant 0 : i32
    %dma_wait3A_46 = arith.constant 0 : i32
    %dma_wait3A_47 = tpu.memref_slice %arg7[%dma_wait3A, %dma_wait3A_45, %dma_wait3A_46] : memref<2x4x128xi32, #tpu.memory_space<vmem>> -> memref<1x4x128xi32, #tpu.memory_space<vmem>>
    %dma_wait3A_48 = tpu.memref_squeeze %dma_wait3A_47 : memref<1x4x128xi32, #tpu.memory_space<vmem>> -> memref<4x128xi32, #tpu.memory_space<vmem>>
    %dma_wait3A_49 = arith.constant 0 : i32
    %dma_wait3A_50 = arith.constant 0 : i32
    %dma_wait3A_51 = tpu.memref_slice %arg4[%add3A, %dma_wait3A_49, %dma_wait3A_50] : memref<32x4x128xi32, #tpu.memory_space<hbm>> -> memref<1x4x128xi32, #tpu.memory_space<hbm>>
    %dma_wait3A_52 = tpu.memref_squeeze %dma_wait3A_51 : memref<1x4x128xi32, #tpu.memory_space<hbm>> -> memref<4x128xi32, #tpu.memory_space<hbm>>
    %dma_wait3A_53 = tpu.memref_slice %arg13[%dma_wait3A_44] : memref<4x!tpu.dma_semaphore, #tpu.memory_space<semaphore_mem>> -> memref<1x!tpu.dma_semaphore, #tpu.memory_space<semaphore_mem>>
    %dma_wait3A_54 = tpu.memref_squeeze %dma_wait3A_53 : memref<1x!tpu.dma_semaphore, #tpu.memory_space<semaphore_mem>> -> memref<!tpu.dma_semaphore, #tpu.memory_space<semaphore_mem>>
    %dma_wait3A_55 = arith.constant 0 : i32
    %dma_wait3A_56 = arith.constant 0 : i32
    %dma_wait3A_57 = tpu.memref_slice %arg7[%dma_wait3A, %dma_wait3A_55, %dma_wait3A_56] : memref<2x4x128xi32, #tpu.memory_space<vmem>> -> memref<1x4x128xi32, #tpu.memory_space<vmem>>
    %dma_wait3A_58 = tpu.memref_squeeze %dma_wait3A_57 : memref<1x4x128xi32, #tpu.memory_space<vmem>> -> memref<4x128xi32, #tpu.memory_space<vmem>>
    %dma_wait3A_59 = arith.constant 0 : i32
    %dma_wait3A_60 = arith.constant 0 : i32
    %dma_wait3A_61 = tpu.memref_slice %arg4[%add3A, %dma_wait3A_59, %dma_wait3A_60] : memref<32x4x128xi32, #tpu.memory_space<hbm>> -> memref<1x4x128xi32, #tpu.memory_space<hbm>>
    %dma_wait3A_62 = tpu.memref_squeeze %dma_wait3A_61 : memref<1x4x128xi32, #tpu.memory_space<hbm>> -> memref<4x128xi32, #tpu.memory_space<hbm>>
    tpu.wait_dma2 semaphore(%dma_wait3A_54 : memref<!tpu.dma_semaphore, #tpu.memory_space<semaphore_mem>>) src(%dma_wait3A_62 : memref<4x128xi32, #tpu.memory_space<hbm>>) dst(%dma_wait3A_58 : memref<4x128xi32, #tpu.memory_space<vmem>>)
    %dma_wait3A_63 = arith.constant 1 : i32
    %dma_wait3A_64 = arith.constant 1 : i32
    %dma_wait3A_65 = arith.constant 0 : i32
    %dma_wait3A_66 = arith.constant 0 : i32
    %dma_wait3A_67 = tpu.memref_slice %arg7[%dma_wait3A_63, %dma_wait3A_65, %dma_wait3A_66] : memref<2x4x128xi32, #tpu.memory_space<vmem>> -> memref<1x4x128xi32, #tpu.memory_space<vmem>>
    %dma_wait3A_68 = tpu.memref_squeeze %dma_wait3A_67 : memref<1x4x128xi32, #tpu.memory_space<vmem>> -> memref<4x128xi32, #tpu.memory_space<vmem>>
    %dma_wait3A_69 = arith.constant 0 : i32
    %dma_wait3A_70 = arith.constant 0 : i32
    %dma_wait3A_71 = tpu.memref_slice %arg5[%add3A, %dma_wait3A_69, %dma_wait3A_70] : memref<32x4x128xi32, #tpu.memory_space<hbm>> -> memref<1x4x128xi32, #tpu.memory_space<hbm>>
    %dma_wait3A_72 = tpu.memref_squeeze %dma_wait3A_71 : memref<1x4x128xi32, #tpu.memory_space<hbm>> -> memref<4x128xi32, #tpu.memory_space<hbm>>
    %dma_wait3A_73 = tpu.memref_slice %arg13[%dma_wait3A_64] : memref<4x!tpu.dma_semaphore, #tpu.memory_space<semaphore_mem>> -> memref<1x!tpu.dma_semaphore, #tpu.memory_space<semaphore_mem>>
    %dma_wait3A_74 = tpu.memref_squeeze %dma_wait3A_73 : memref<1x!tpu.dma_semaphore, #tpu.memory_space<semaphore_mem>> -> memref<!tpu.dma_semaphore, #tpu.memory_space<semaphore_mem>>
    %dma_wait3A_75 = arith.constant 0 : i32
    %dma_wait3A_76 = arith.constant 0 : i32
    %dma_wait3A_77 = tpu.memref_slice %arg7[%dma_wait3A_63, %dma_wait3A_75, %dma_wait3A_76] : memref<2x4x128xi32, #tpu.memory_space<vmem>> -> memref<1x4x128xi32, #tpu.memory_space<vmem>>
    %dma_wait3A_78 = tpu.memref_squeeze %dma_wait3A_77 : memref<1x4x128xi32, #tpu.memory_space<vmem>> -> memref<4x128xi32, #tpu.memory_space<vmem>>
    %dma_wait3A_79 = arith.constant 0 : i32
    %dma_wait3A_80 = arith.constant 0 : i32
    %dma_wait3A_81 = tpu.memref_slice %arg5[%add3A, %dma_wait3A_79, %dma_wait3A_80] : memref<32x4x128xi32, #tpu.memory_space<hbm>> -> memref<1x4x128xi32, #tpu.memory_space<hbm>>
    %dma_wait3A_82 = tpu.memref_squeeze %dma_wait3A_81 : memref<1x4x128xi32, #tpu.memory_space<hbm>> -> memref<4x128xi32, #tpu.memory_space<hbm>>
    tpu.wait_dma2 semaphore(%dma_wait3A_74 : memref<!tpu.dma_semaphore, #tpu.memory_space<semaphore_mem>>) src(%dma_wait3A_82 : memref<4x128xi32, #tpu.memory_space<hbm>>) dst(%dma_wait3A_78 : memref<4x128xi32, #tpu.memory_space<vmem>>)
    %barrier3A = arith.constant 0 : index
    tpu.barrier barrier_id(%barrier3A)
    %dma_start3A_83 = arith.constant 0 : i32
    %dma_start3A_84 = arith.constant 0 : i32
    %dma_start3A_85 = arith.constant 0 : i32
    %dma_start3A_86 = arith.constant 0 : i32
    %dma_start3A_87 = arith.constant 0 : i32
    %dma_start3A_88 = arith.constant 0 : i32
    %dma_start3A_89 = arith.constant 0 : i32
    %dma_start3A_90 = tpu.memref_slice %arg10[%dma_start3A_85, %dma_start3A_88, %dma_start3A_89] : memref<3x256x128xf32, #tpu.memory_space<vmem>> -> memref<1x128x128xf32, #tpu.memory_space<vmem>>
    %dma_start3A_91 = tpu.memref_squeeze %dma_start3A_90 : memref<1x128x128xf32, #tpu.memory_space<vmem>> -> memref<128x128xf32, #tpu.memory_space<vmem>>
    %dma_start3A_92 = arith.constant 0 : i32
    %dma_start3A_93 = tpu.memref_slice %arg7[%dma_start3A_83, %dma_start3A_84, %dma_start3A_92] : memref<2x4x128xi32, #tpu.memory_space<vmem>> -> memref<1x1x128xi32, #tpu.memory_space<vmem>>
    %dma_start3A_94 = tpu.memref_squeeze %dma_start3A_93 : memref<1x1x128xi32, #tpu.memory_space<vmem>> -> memref<128xi32, #tpu.memory_space<vmem>>
    %dma_start3A_95 = arith.constant 0 : i32
    %dma_start3A_96 = arith.constant 0 : i32
    %dma_start3A_97 = tpu.memref_slice %arg8[%dma_start3A_95, %dma_start3A_96] : memref<100x128xf32, #tpu.memory_space<vmem_shared>> -> memref<100x128xf32, #tpu.memory_space<vmem_shared>>
    %dma_start3A_98 = tpu.memref_slice %arg11[%dma_start3A_86, %dma_start3A_87] : memref<3x2x!tpu.dma_semaphore, #tpu.memory_space<semaphore_mem>> -> memref<1x1x!tpu.dma_semaphore, #tpu.memory_space<semaphore_mem>>
    %dma_start3A_99 = tpu.memref_squeeze %dma_start3A_98 : memref<1x1x!tpu.dma_semaphore, #tpu.memory_space<semaphore_mem>> -> memref<!tpu.dma_semaphore, #tpu.memory_space<semaphore_mem>>
    tpu.enqueue_indirect_dma source(%dma_start3A_97 : memref<100x128xf32, #tpu.memory_space<vmem_shared>>) target(%dma_start3A_91 : memref<128x128xf32, #tpu.memory_space<vmem>>) offsets(%dma_start3A_94 : memref<128xi32, #tpu.memory_space<vmem>>) semaphore(%dma_start3A_99 : memref<!tpu.dma_semaphore, #tpu.memory_space<semaphore_mem>>)
    %dma_start3A_100 = arith.constant 0 : i32
    %dma_start3A_101 = arith.constant 1 : i32
    %dma_start3A_102 = arith.constant 0 : i32
    %dma_start3A_103 = arith.constant 0 : i32
    %dma_start3A_104 = arith.constant 1 : i32
    %dma_start3A_105 = arith.constant 128 : i32
    %dma_start3A_106 = arith.constant 0 : i32
    %dma_start3A_107 = tpu.memref_slice %arg10[%dma_start3A_102, %dma_start3A_105, %dma_start3A_106] : memref<3x256x128xf32, #tpu.memory_space<vmem>> -> memref<1x128x128xf32, #tpu.memory_space<vmem>>
    %dma_start3A_108 = tpu.memref_squeeze %dma_start3A_107 : memref<1x128x128xf32, #tpu.memory_space<vmem>> -> memref<128x128xf32, #tpu.memory_space<vmem>>
    %dma_start3A_109 = arith.constant 0 : i32
    %dma_start3A_110 = tpu.memref_slice %arg7[%dma_start3A_100, %dma_start3A_101, %dma_start3A_109] : memref<2x4x128xi32, #tpu.memory_space<vmem>> -> memref<1x1x128xi32, #tpu.memory_space<vmem>>
    %dma_start3A_111 = tpu.memref_squeeze %dma_start3A_110 : memref<1x1x128xi32, #tpu.memory_space<vmem>> -> memref<128xi32, #tpu.memory_space<vmem>>
    %dma_start3A_112 = arith.constant 0 : i32
    %dma_start3A_113 = arith.constant 0 : i32
    %dma_start3A_114 = tpu.memref_slice %arg8[%dma_start3A_112, %dma_start3A_113] : memref<100x128xf32, #tpu.memory_space<vmem_shared>> -> memref<100x128xf32, #tpu.memory_space<vmem_shared>>
    %dma_start3A_115 = tpu.memref_slice %arg11[%dma_start3A_103, %dma_start3A_104] : memref<3x2x!tpu.dma_semaphore, #tpu.memory_space<semaphore_mem>> -> memref<1x1x!tpu.dma_semaphore, #tpu.memory_space<semaphore_mem>>
    %dma_start3A_116 = tpu.memref_squeeze %dma_start3A_115 : memref<1x1x!tpu.dma_semaphore, #tpu.memory_space<semaphore_mem>> -> memref<!tpu.dma_semaphore, #tpu.memory_space<semaphore_mem>>
    tpu.enqueue_indirect_dma source(%dma_start3A_114 : memref<100x128xf32, #tpu.memory_space<vmem_shared>>) target(%dma_start3A_108 : memref<128x128xf32, #tpu.memory_space<vmem>>) offsets(%dma_start3A_111 : memref<128xi32, #tpu.memory_space<vmem>>) semaphore(%dma_start3A_116 : memref<!tpu.dma_semaphore, #tpu.memory_space<semaphore_mem>>)
    %dma_start3A_117 = arith.constant 0 : i32
    %dma_start3A_118 = arith.constant 2 : i32
    %dma_start3A_119 = arith.constant 1 : i32
    %dma_start3A_120 = arith.constant 1 : i32
    %dma_start3A_121 = arith.constant 0 : i32
    %dma_start3A_122 = arith.constant 0 : i32
    %dma_start3A_123 = arith.constant 0 : i32
    %dma_start3A_124 = tpu.memref_slice %arg10[%dma_start3A_119, %dma_start3A_122, %dma_start3A_123] : memref<3x256x128xf32, #tpu.memory_space<vmem>> -> memref<1x128x128xf32, #tpu.memory_space<vmem>>
    %dma_start3A_125 = tpu.memref_squeeze %dma_start3A_124 : memref<1x128x128xf32, #tpu.memory_space<vmem>> -> memref<128x128xf32, #tpu.memory_space<vmem>>
    %dma_start3A_126 = arith.constant 0 : i32
    %dma_start3A_127 = tpu.memref_slice %arg7[%dma_start3A_117, %dma_start3A_118, %dma_start3A_126] : memref<2x4x128xi32, #tpu.memory_space<vmem>> -> memref<1x1x128xi32, #tpu.memory_space<vmem>>
    %dma_start3A_128 = tpu.memref_squeeze %dma_start3A_127 : memref<1x1x128xi32, #tpu.memory_space<vmem>> -> memref<128xi32, #tpu.memory_space<vmem>>
    %dma_start3A_129 = arith.constant 0 : i32
    %dma_start3A_130 = arith.constant 0 : i32
    %dma_start3A_131 = tpu.memref_slice %arg8[%dma_start3A_129, %dma_start3A_130] : memref<100x128xf32, #tpu.memory_space<vmem_shared>> -> memref<100x128xf32, #tpu.memory_space<vmem_shared>>
    %dma_start3A_132 = tpu.memref_slice %arg11[%dma_start3A_120, %dma_start3A_121] : memref<3x2x!tpu.dma_semaphore, #tpu.memory_space<semaphore_mem>> -> memref<1x1x!tpu.dma_semaphore, #tpu.memory_space<semaphore_mem>>
    %dma_start3A_133 = tpu.memref_squeeze %dma_start3A_132 : memref<1x1x!tpu.dma_semaphore, #tpu.memory_space<semaphore_mem>> -> memref<!tpu.dma_semaphore, #tpu.memory_space<semaphore_mem>>
    tpu.enqueue_indirect_dma source(%dma_start3A_131 : memref<100x128xf32, #tpu.memory_space<vmem_shared>>) target(%dma_start3A_125 : memref<128x128xf32, #tpu.memory_space<vmem>>) offsets(%dma_start3A_128 : memref<128xi32, #tpu.memory_space<vmem>>) semaphore(%dma_start3A_133 : memref<!tpu.dma_semaphore, #tpu.memory_space<semaphore_mem>>)
    %dma_start3A_134 = arith.constant 0 : i32
    %dma_start3A_135 = arith.constant 3 : i32
    %dma_start3A_136 = arith.constant 1 : i32
    %dma_start3A_137 = arith.constant 1 : i32
    %dma_start3A_138 = arith.constant 1 : i32
    %dma_start3A_139 = arith.constant 128 : i32
    %dma_start3A_140 = arith.constant 0 : i32
    %dma_start3A_141 = tpu.memref_slice %arg10[%dma_start3A_136, %dma_start3A_139, %dma_start3A_140] : memref<3x256x128xf32, #tpu.memory_space<vmem>> -> memref<1x128x128xf32, #tpu.memory_space<vmem>>
    %dma_start3A_142 = tpu.memref_squeeze %dma_start3A_141 : memref<1x128x128xf32, #tpu.memory_space<vmem>> -> memref<128x128xf32, #tpu.memory_space<vmem>>
    %dma_start3A_143 = arith.constant 0 : i32
    %dma_start3A_144 = tpu.memref_slice %arg7[%dma_start3A_134, %dma_start3A_135, %dma_start3A_143] : memref<2x4x128xi32, #tpu.memory_space<vmem>> -> memref<1x1x128xi32, #tpu.memory_space<vmem>>
    %dma_start3A_145 = tpu.memref_squeeze %dma_start3A_144 : memref<1x1x128xi32, #tpu.memory_space<vmem>> -> memref<128xi32, #tpu.memory_space<vmem>>
    %dma_start3A_146 = arith.constant 0 : i32
    %dma_start3A_147 = arith.constant 0 : i32
    %dma_start3A_148 = tpu.memref_slice %arg8[%dma_start3A_146, %dma_start3A_147] : memref<100x128xf32, #tpu.memory_space<vmem_shared>> -> memref<100x128xf32, #tpu.memory_space<vmem_shared>>
    %dma_start3A_149 = tpu.memref_slice %arg11[%dma_start3A_137, %dma_start3A_138] : memref<3x2x!tpu.dma_semaphore, #tpu.memory_space<semaphore_mem>> -> memref<1x1x!tpu.dma_semaphore, #tpu.memory_space<semaphore_mem>>
    %dma_start3A_150 = tpu.memref_squeeze %dma_start3A_149 : memref<1x1x!tpu.dma_semaphore, #tpu.memory_space<semaphore_mem>> -> memref<!tpu.dma_semaphore, #tpu.memory_space<semaphore_mem>>
    tpu.enqueue_indirect_dma source(%dma_start3A_148 : memref<100x128xf32, #tpu.memory_space<vmem_shared>>) target(%dma_start3A_142 : memref<128x128xf32, #tpu.memory_space<vmem>>) offsets(%dma_start3A_145 : memref<128xi32, #tpu.memory_space<vmem>>) semaphore(%dma_start3A_150 : memref<!tpu.dma_semaphore, #tpu.memory_space<semaphore_mem>>)
    %dma_wait3A_151 = arith.constant 0 : i32
    %dma_wait3A_152 = arith.constant 0 : i32
    %dma_wait3A_153 = arith.constant 0 : i32
    %dma_wait3A_154 = arith.constant 0 : i32
    %dma_wait3A_155 = arith.constant 0 : i32
    %dma_wait3A_156 = arith.constant 0 : i32
    %dma_wait3A_157 = arith.constant 0 : i32
    %dma_wait3A_158 = tpu.memref_slice %arg10[%dma_wait3A_153, %dma_wait3A_156, %dma_wait3A_157] : memref<3x256x128xf32, #tpu.memory_space<vmem>> -> memref<1x128x128xf32, #tpu.memory_space<vmem>>
    %dma_wait3A_159 = tpu.memref_squeeze %dma_wait3A_158 : memref<1x128x128xf32, #tpu.memory_space<vmem>> -> memref<128x128xf32, #tpu.memory_space<vmem>>
    %dma_wait3A_160 = arith.constant 0 : i32
    %dma_wait3A_161 = tpu.memref_slice %arg7[%dma_wait3A_151, %dma_wait3A_152, %dma_wait3A_160] : memref<2x4x128xi32, #tpu.memory_space<vmem>> -> memref<1x1x128xi32, #tpu.memory_space<vmem>>
    %dma_wait3A_162 = tpu.memref_squeeze %dma_wait3A_161 : memref<1x1x128xi32, #tpu.memory_space<vmem>> -> memref<128xi32, #tpu.memory_space<vmem>>
    %dma_wait3A_163 = arith.constant 0 : i32
    %dma_wait3A_164 = arith.constant 0 : i32
    %dma_wait3A_165 = tpu.memref_slice %arg8[%dma_wait3A_163, %dma_wait3A_164] : memref<100x128xf32, #tpu.memory_space<vmem_shared>> -> memref<100x128xf32, #tpu.memory_space<vmem_shared>>
    %dma_wait3A_166 = tpu.memref_slice %arg11[%dma_wait3A_154, %dma_wait3A_155] : memref<3x2x!tpu.dma_semaphore, #tpu.memory_space<semaphore_mem>> -> memref<1x1x!tpu.dma_semaphore, #tpu.memory_space<semaphore_mem>>
    %dma_wait3A_167 = tpu.memref_squeeze %dma_wait3A_166 : memref<1x1x!tpu.dma_semaphore, #tpu.memory_space<semaphore_mem>> -> memref<!tpu.dma_semaphore, #tpu.memory_space<semaphore_mem>>
    tpu.wait_indirect_dma semaphore(%dma_wait3A_167 : memref<!tpu.dma_semaphore, #tpu.memory_space<semaphore_mem>>) src(%dma_wait3A_165 : memref<100x128xf32, #tpu.memory_space<vmem_shared>>) dst(%dma_wait3A_159 : memref<128x128xf32, #tpu.memory_space<vmem>>)
    %dma_wait3A_168 = arith.constant 0 : i32
    %dma_wait3A_169 = arith.constant 1 : i32
    %dma_wait3A_170 = arith.constant 0 : i32
    %dma_wait3A_171 = arith.constant 0 : i32
    %dma_wait3A_172 = arith.constant 1 : i32
    %dma_wait3A_173 = arith.constant 128 : i32
    %dma_wait3A_174 = arith.constant 0 : i32
    %dma_wait3A_175 = tpu.memref_slice %arg10[%dma_wait3A_170, %dma_wait3A_173, %dma_wait3A_174] : memref<3x256x128xf32, #tpu.memory_space<vmem>> -> memref<1x128x128xf32, #tpu.memory_space<vmem>>
    %dma_wait3A_176 = tpu.memref_squeeze %dma_wait3A_175 : memref<1x128x128xf32, #tpu.memory_space<vmem>> -> memref<128x128xf32, #tpu.memory_space<vmem>>
    %dma_wait3A_177 = arith.constant 0 : i32
    %dma_wait3A_178 = tpu.memref_slice %arg7[%dma_wait3A_168, %dma_wait3A_169, %dma_wait3A_177] : memref<2x4x128xi32, #tpu.memory_space<vmem>> -> memref<1x1x128xi32, #tpu.memory_space<vmem>>
    %dma_wait3A_179 = tpu.memref_squeeze %dma_wait3A_178 : memref<1x1x128xi32, #tpu.memory_space<vmem>> -> memref<128xi32, #tpu.memory_space<vmem>>
    %dma_wait3A_180 = arith.constant 0 : i32
    %dma_wait3A_181 = arith.constant 0 : i32
    %dma_wait3A_182 = tpu.memref_slice %arg8[%dma_wait3A_180, %dma_wait3A_181] : memref<100x128xf32, #tpu.memory_space<vmem_shared>> -> memref<100x128xf32, #tpu.memory_space<vmem_shared>>
    %dma_wait3A_183 = tpu.memref_slice %arg11[%dma_wait3A_171, %dma_wait3A_172] : memref<3x2x!tpu.dma_semaphore, #tpu.memory_space<semaphore_mem>> -> memref<1x1x!tpu.dma_semaphore, #tpu.memory_space<semaphore_mem>>
    %dma_wait3A_184 = tpu.memref_squeeze %dma_wait3A_183 : memref<1x1x!tpu.dma_semaphore, #tpu.memory_space<semaphore_mem>> -> memref<!tpu.dma_semaphore, #tpu.memory_space<semaphore_mem>>
    tpu.wait_indirect_dma semaphore(%dma_wait3A_184 : memref<!tpu.dma_semaphore, #tpu.memory_space<semaphore_mem>>) src(%dma_wait3A_182 : memref<100x128xf32, #tpu.memory_space<vmem_shared>>) dst(%dma_wait3A_176 : memref<128x128xf32, #tpu.memory_space<vmem>>)
    %add3A_185 = arith.constant 0 : i32
    %add3A_186 = arith.addi %mul3A_2, %add3A_185 : i32
    %dma_start3A_187 = arith.constant 0 : i32
    %dma_start3A_188 = arith.constant 0 : i32
    %dma_start3A_189 = arith.constant 0 : i32
    %dma_start3A_190 = arith.constant 0 : i32
    %dma_start3A_191 = arith.constant 0 : i32
    %dma_start3A_192 = tpu.memref_slice %arg10[%dma_start3A_187, %dma_start3A_190, %dma_start3A_191] : memref<3x256x128xf32, #tpu.memory_space<vmem>> -> memref<1x256x128xf32, #tpu.memory_space<vmem>>
    %dma_start3A_193 = tpu.memref_squeeze %dma_start3A_192 : memref<1x256x128xf32, #tpu.memory_space<vmem>> -> memref<256x128xf32, #tpu.memory_space<vmem>>
    %dma_start3A_194 = arith.constant 0 : i32
    %dma_start3A_195 = tpu.memref_slice %arg6[%dma_start3A_188, %add3A_186, %dma_start3A_194] : memref<2x16384x128xf32, #tpu.memory_space<hbm>> -> memref<1x256x128xf32, #tpu.memory_space<hbm>>
    %dma_start3A_196 = tpu.memref_squeeze %dma_start3A_195 : memref<1x256x128xf32, #tpu.memory_space<hbm>> -> memref<256x128xf32, #tpu.memory_space<hbm>>
    %dma_start3A_197 = tpu.memref_slice %arg12[%dma_start3A_189] : memref<3x!tpu.dma_semaphore, #tpu.memory_space<semaphore_mem>> -> memref<1x!tpu.dma_semaphore, #tpu.memory_space<semaphore_mem>>
    %dma_start3A_198 = tpu.memref_squeeze %dma_start3A_197 : memref<1x!tpu.dma_semaphore, #tpu.memory_space<semaphore_mem>> -> memref<!tpu.dma_semaphore, #tpu.memory_space<semaphore_mem>>
    %dma_start3A_199 = arith.constant 0 : i32
    %dma_start3A_200 = tpu.memref_slice %arg6[%dma_start3A_188, %add3A_186, %dma_start3A_199] : memref<2x16384x128xf32, #tpu.memory_space<hbm>> -> memref<1x256x128xf32, #tpu.memory_space<hbm>>
    %dma_start3A_201 = tpu.memref_squeeze %dma_start3A_200 : memref<1x256x128xf32, #tpu.memory_space<hbm>> -> memref<256x128xf32, #tpu.memory_space<hbm>>
    %dma_start3A_202 = arith.constant 0 : i32
    %dma_start3A_203 = arith.constant 0 : i32
    %dma_start3A_204 = tpu.memref_slice %arg10[%dma_start3A_187, %dma_start3A_202, %dma_start3A_203] : memref<3x256x128xf32, #tpu.memory_space<vmem>> -> memref<1x256x128xf32, #tpu.memory_space<vmem>>
    %dma_start3A_205 = tpu.memref_squeeze %dma_start3A_204 : memref<1x256x128xf32, #tpu.memory_space<vmem>> -> memref<256x128xf32, #tpu.memory_space<vmem>>
    tpu.enqueue_dma source(%dma_start3A_205 : memref<256x128xf32, #tpu.memory_space<vmem>>) target(%dma_start3A_201 : memref<256x128xf32, #tpu.memory_space<hbm>>) target_semaphore(%dma_start3A_198 : memref<!tpu.dma_semaphore, #tpu.memory_space<semaphore_mem>>)
    %dma_start3A_206 = arith.constant 1 : i32
    %dma_start3A_207 = arith.constant 0 : i32
    %dma_start3A_208 = arith.constant 2 : i32
    %dma_start3A_209 = arith.constant 2 : i32
    %dma_start3A_210 = arith.constant 0 : i32
    %dma_start3A_211 = arith.constant 0 : i32
    %dma_start3A_212 = arith.constant 0 : i32
    %dma_start3A_213 = tpu.memref_slice %arg10[%dma_start3A_208, %dma_start3A_211, %dma_start3A_212] : memref<3x256x128xf32, #tpu.memory_space<vmem>> -> memref<1x128x128xf32, #tpu.memory_space<vmem>>
    %dma_start3A_214 = tpu.memref_squeeze %dma_start3A_213 : memref<1x128x128xf32, #tpu.memory_space<vmem>> -> memref<128x128xf32, #tpu.memory_space<vmem>>
    %dma_start3A_215 = arith.constant 0 : i32
    %dma_start3A_216 = tpu.memref_slice %arg7[%dma_start3A_206, %dma_start3A_207, %dma_start3A_215] : memref<2x4x128xi32, #tpu.memory_space<vmem>> -> memref<1x1x128xi32, #tpu.memory_space<vmem>>
    %dma_start3A_217 = tpu.memref_squeeze %dma_start3A_216 : memref<1x1x128xi32, #tpu.memory_space<vmem>> -> memref<128xi32, #tpu.memory_space<vmem>>
    %dma_start3A_218 = arith.constant 0 : i32
    %dma_start3A_219 = arith.constant 0 : i32
    %dma_start3A_220 = tpu.memref_slice %arg9[%dma_start3A_218, %dma_start3A_219] : memref<100x128xf32, #tpu.memory_space<vmem_shared>> -> memref<100x128xf32, #tpu.memory_space<vmem_shared>>
    %dma_start3A_221 = tpu.memref_slice %arg11[%dma_start3A_209, %dma_start3A_210] : memref<3x2x!tpu.dma_semaphore, #tpu.memory_space<semaphore_mem>> -> memref<1x1x!tpu.dma_semaphore, #tpu.memory_space<semaphore_mem>>
    %dma_start3A_222 = tpu.memref_squeeze %dma_start3A_221 : memref<1x1x!tpu.dma_semaphore, #tpu.memory_space<semaphore_mem>> -> memref<!tpu.dma_semaphore, #tpu.memory_space<semaphore_mem>>
    tpu.enqueue_indirect_dma source(%dma_start3A_220 : memref<100x128xf32, #tpu.memory_space<vmem_shared>>) target(%dma_start3A_214 : memref<128x128xf32, #tpu.memory_space<vmem>>) offsets(%dma_start3A_217 : memref<128xi32, #tpu.memory_space<vmem>>) semaphore(%dma_start3A_222 : memref<!tpu.dma_semaphore, #tpu.memory_space<semaphore_mem>>)
    %dma_start3A_223 = arith.constant 1 : i32
    %dma_start3A_224 = arith.constant 1 : i32
    %dma_start3A_225 = arith.constant 2 : i32
    %dma_start3A_226 = arith.constant 2 : i32
    %dma_start3A_227 = arith.constant 1 : i32
    %dma_start3A_228 = arith.constant 128 : i32
    %dma_start3A_229 = arith.constant 0 : i32
    %dma_start3A_230 = tpu.memref_slice %arg10[%dma_start3A_225, %dma_start3A_228, %dma_start3A_229] : memref<3x256x128xf32, #tpu.memory_space<vmem>> -> memref<1x128x128xf32, #tpu.memory_space<vmem>>
    %dma_start3A_231 = tpu.memref_squeeze %dma_start3A_230 : memref<1x128x128xf32, #tpu.memory_space<vmem>> -> memref<128x128xf32, #tpu.memory_space<vmem>>
    %dma_start3A_232 = arith.constant 0 : i32
    %dma_start3A_233 = tpu.memref_slice %arg7[%dma_start3A_223, %dma_start3A_224, %dma_start3A_232] : memref<2x4x128xi32, #tpu.memory_space<vmem>> -> memref<1x1x128xi32, #tpu.memory_space<vmem>>
    %dma_start3A_234 = tpu.memref_squeeze %dma_start3A_233 : memref<1x1x128xi32, #tpu.memory_space<vmem>> -> memref<128xi32, #tpu.memory_space<vmem>>
    %dma_start3A_235 = arith.constant 0 : i32
    %dma_start3A_236 = arith.constant 0 : i32
    %dma_start3A_237 = tpu.memref_slice %arg9[%dma_start3A_235, %dma_start3A_236] : memref<100x128xf32, #tpu.memory_space<vmem_shared>> -> memref<100x128xf32, #tpu.memory_space<vmem_shared>>
    %dma_start3A_238 = tpu.memref_slice %arg11[%dma_start3A_226, %dma_start3A_227] : memref<3x2x!tpu.dma_semaphore, #tpu.memory_space<semaphore_mem>> -> memref<1x1x!tpu.dma_semaphore, #tpu.memory_space<semaphore_mem>>
    %dma_start3A_239 = tpu.memref_squeeze %dma_start3A_238 : memref<1x1x!tpu.dma_semaphore, #tpu.memory_space<semaphore_mem>> -> memref<!tpu.dma_semaphore, #tpu.memory_space<semaphore_mem>>
    tpu.enqueue_indirect_dma source(%dma_start3A_237 : memref<100x128xf32, #tpu.memory_space<vmem_shared>>) target(%dma_start3A_231 : memref<128x128xf32, #tpu.memory_space<vmem>>) offsets(%dma_start3A_234 : memref<128xi32, #tpu.memory_space<vmem>>) semaphore(%dma_start3A_239 : memref<!tpu.dma_semaphore, #tpu.memory_space<semaphore_mem>>)
    %dma_wait3A_240 = arith.constant 0 : i32
    %dma_wait3A_241 = arith.constant 2 : i32
    %dma_wait3A_242 = arith.constant 1 : i32
    %dma_wait3A_243 = arith.constant 1 : i32
    %dma_wait3A_244 = arith.constant 0 : i32
    %dma_wait3A_245 = arith.constant 0 : i32
    %dma_wait3A_246 = arith.constant 0 : i32
    %dma_wait3A_247 = tpu.memref_slice %arg10[%dma_wait3A_242, %dma_wait3A_245, %dma_wait3A_246] : memref<3x256x128xf32, #tpu.memory_space<vmem>> -> memref<1x128x128xf32, #tpu.memory_space<vmem>>
    %dma_wait3A_248 = tpu.memref_squeeze %dma_wait3A_247 : memref<1x128x128xf32, #tpu.memory_space<vmem>> -> memref<128x128xf32, #tpu.memory_space<vmem>>
    %dma_wait3A_249 = arith.constant 0 : i32
    %dma_wait3A_250 = tpu.memref_slice %arg7[%dma_wait3A_240, %dma_wait3A_241, %dma_wait3A_249] : memref<2x4x128xi32, #tpu.memory_space<vmem>> -> memref<1x1x128xi32, #tpu.memory_space<vmem>>
    %dma_wait3A_251 = tpu.memref_squeeze %dma_wait3A_250 : memref<1x1x128xi32, #tpu.memory_space<vmem>> -> memref<128xi32, #tpu.memory_space<vmem>>
    %dma_wait3A_252 = arith.constant 0 : i32
    %dma_wait3A_253 = arith.constant 0 : i32
    %dma_wait3A_254 = tpu.memref_slice %arg8[%dma_wait3A_252, %dma_wait3A_253] : memref<100x128xf32, #tpu.memory_space<vmem_shared>> -> memref<100x128xf32, #tpu.memory_space<vmem_shared>>
    %dma_wait3A_255 = tpu.memref_slice %arg11[%dma_wait3A_243, %dma_wait3A_244] : memref<3x2x!tpu.dma_semaphore, #tpu.memory_space<semaphore_mem>> -> memref<1x1x!tpu.dma_semaphore, #tpu.memory_space<semaphore_mem>>
    %dma_wait3A_256 = tpu.memref_squeeze %dma_wait3A_255 : memref<1x1x!tpu.dma_semaphore, #tpu.memory_space<semaphore_mem>> -> memref<!tpu.dma_semaphore, #tpu.memory_space<semaphore_mem>>
    tpu.wait_indirect_dma semaphore(%dma_wait3A_256 : memref<!tpu.dma_semaphore, #tpu.memory_space<semaphore_mem>>) src(%dma_wait3A_254 : memref<100x128xf32, #tpu.memory_space<vmem_shared>>) dst(%dma_wait3A_248 : memref<128x128xf32, #tpu.memory_space<vmem>>)
    %dma_wait3A_257 = arith.constant 0 : i32
    %dma_wait3A_258 = arith.constant 3 : i32
    %dma_wait3A_259 = arith.constant 1 : i32
    %dma_wait3A_260 = arith.constant 1 : i32
    %dma_wait3A_261 = arith.constant 1 : i32
    %dma_wait3A_262 = arith.constant 128 : i32
    %dma_wait3A_263 = arith.constant 0 : i32
    %dma_wait3A_264 = tpu.memref_slice %arg10[%dma_wait3A_259, %dma_wait3A_262, %dma_wait3A_263] : memref<3x256x128xf32, #tpu.memory_space<vmem>> -> memref<1x128x128xf32, #tpu.memory_space<vmem>>
    %dma_wait3A_265 = tpu.memref_squeeze %dma_wait3A_264 : memref<1x128x128xf32, #tpu.memory_space<vmem>> -> memref<128x128xf32, #tpu.memory_space<vmem>>
    %dma_wait3A_266 = arith.constant 0 : i32
    %dma_wait3A_267 = tpu.memref_slice %arg7[%dma_wait3A_257, %dma_wait3A_258, %dma_wait3A_266] : memref<2x4x128xi32, #tpu.memory_space<vmem>> -> memref<1x1x128xi32, #tpu.memory_space<vmem>>
    %dma_wait3A_268 = tpu.memref_squeeze %dma_wait3A_267 : memref<1x1x128xi32, #tpu.memory_space<vmem>> -> memref<128xi32, #tpu.memory_space<vmem>>
    %dma_wait3A_269 = arith.constant 0 : i32
    %dma_wait3A_270 = arith.constant 0 : i32
    %dma_wait3A_271 = tpu.memref_slice %arg8[%dma_wait3A_269, %dma_wait3A_270] : memref<100x128xf32, #tpu.memory_space<vmem_shared>> -> memref<100x128xf32, #tpu.memory_space<vmem_shared>>
    %dma_wait3A_272 = tpu.memref_slice %arg11[%dma_wait3A_260, %dma_wait3A_261] : memref<3x2x!tpu.dma_semaphore, #tpu.memory_space<semaphore_mem>> -> memref<1x1x!tpu.dma_semaphore, #tpu.memory_space<semaphore_mem>>
    %dma_wait3A_273 = tpu.memref_squeeze %dma_wait3A_272 : memref<1x1x!tpu.dma_semaphore, #tpu.memory_space<semaphore_mem>> -> memref<!tpu.dma_semaphore, #tpu.memory_space<semaphore_mem>>
    tpu.wait_indirect_dma semaphore(%dma_wait3A_273 : memref<!tpu.dma_semaphore, #tpu.memory_space<semaphore_mem>>) src(%dma_wait3A_271 : memref<100x128xf32, #tpu.memory_space<vmem_shared>>) dst(%dma_wait3A_265 : memref<128x128xf32, #tpu.memory_space<vmem>>)
    %add3A_274 = arith.constant 256 : i32
    %add3A_275 = arith.addi %mul3A_2, %add3A_274 : i32
    %dma_start3A_276 = arith.constant 1 : i32
    %dma_start3A_277 = arith.constant 0 : i32
    %dma_start3A_278 = arith.constant 1 : i32
    %dma_start3A_279 = arith.constant 0 : i32
    %dma_start3A_280 = arith.constant 0 : i32
    %dma_start3A_281 = tpu.memref_slice %arg10[%dma_start3A_276, %dma_start3A_279, %dma_start3A_280] : memref<3x256x128xf32, #tpu.memory_space<vmem>> -> memref<1x256x128xf32, #tpu.memory_space<vmem>>
    %dma_start3A_282 = tpu.memref_squeeze %dma_start3A_281 : memref<1x256x128xf32, #tpu.memory_space<vmem>> -> memref<256x128xf32, #tpu.memory_space<vmem>>
    %dma_start3A_283 = arith.constant 0 : i32
    %dma_start3A_284 = tpu.memref_slice %arg6[%dma_start3A_277, %add3A_275, %dma_start3A_283] : memref<2x16384x128xf32, #tpu.memory_space<hbm>> -> memref<1x256x128xf32, #tpu.memory_space<hbm>>
    %dma_start3A_285 = tpu.memref_squeeze %dma_start3A_284 : memref<1x256x128xf32, #tpu.memory_space<hbm>> -> memref<256x128xf32, #tpu.memory_space<hbm>>
    %dma_start3A_286 = tpu.memref_slice %arg12[%dma_start3A_278] : memref<3x!tpu.dma_semaphore, #tpu.memory_space<semaphore_mem>> -> memref<1x!tpu.dma_semaphore, #tpu.memory_space<semaphore_mem>>
    %dma_start3A_287 = tpu.memref_squeeze %dma_start3A_286 : memref<1x!tpu.dma_semaphore, #tpu.memory_space<semaphore_mem>> -> memref<!tpu.dma_semaphore, #tpu.memory_space<semaphore_mem>>
    %dma_start3A_288 = arith.constant 0 : i32
    %dma_start3A_289 = tpu.memref_slice %arg6[%dma_start3A_277, %add3A_275, %dma_start3A_288] : memref<2x16384x128xf32, #tpu.memory_space<hbm>> -> memref<1x256x128xf32, #tpu.memory_space<hbm>>
    %dma_start3A_290 = tpu.memref_squeeze %dma_start3A_289 : memref<1x256x128xf32, #tpu.memory_space<hbm>> -> memref<256x128xf32, #tpu.memory_space<hbm>>
    %dma_start3A_291 = arith.constant 0 : i32
    %dma_start3A_292 = arith.constant 0 : i32
    %dma_start3A_293 = tpu.memref_slice %arg10[%dma_start3A_276, %dma_start3A_291, %dma_start3A_292] : memref<3x256x128xf32, #tpu.memory_space<vmem>> -> memref<1x256x128xf32, #tpu.memory_space<vmem>>
    %dma_start3A_294 = tpu.memref_squeeze %dma_start3A_293 : memref<1x256x128xf32, #tpu.memory_space<vmem>> -> memref<256x128xf32, #tpu.memory_space<vmem>>
    tpu.enqueue_dma source(%dma_start3A_294 : memref<256x128xf32, #tpu.memory_space<vmem>>) target(%dma_start3A_290 : memref<256x128xf32, #tpu.memory_space<hbm>>) target_semaphore(%dma_start3A_287 : memref<!tpu.dma_semaphore, #tpu.memory_space<semaphore_mem>>)
    %dma_wait3A_295 = arith.constant 0 : i32
    %dma_wait3A_296 = arith.constant 0 : i32
    %dma_wait3A_297 = arith.constant 0 : i32
    %dma_wait3A_298 = arith.constant 0 : i32
    %dma_wait3A_299 = arith.constant 0 : i32
    %dma_wait3A_300 = tpu.memref_slice %arg10[%dma_wait3A_295, %dma_wait3A_298, %dma_wait3A_299] : memref<3x256x128xf32, #tpu.memory_space<vmem>> -> memref<1x256x128xf32, #tpu.memory_space<vmem>>
    %dma_wait3A_301 = tpu.memref_squeeze %dma_wait3A_300 : memref<1x256x128xf32, #tpu.memory_space<vmem>> -> memref<256x128xf32, #tpu.memory_space<vmem>>
    %dma_wait3A_302 = arith.constant 0 : i32
    %dma_wait3A_303 = tpu.memref_slice %arg6[%dma_wait3A_296, %add3A_186, %dma_wait3A_302] : memref<2x16384x128xf32, #tpu.memory_space<hbm>> -> memref<1x256x128xf32, #tpu.memory_space<hbm>>
    %dma_wait3A_304 = tpu.memref_squeeze %dma_wait3A_303 : memref<1x256x128xf32, #tpu.memory_space<hbm>> -> memref<256x128xf32, #tpu.memory_space<hbm>>
    %dma_wait3A_305 = tpu.memref_slice %arg12[%dma_wait3A_297] : memref<3x!tpu.dma_semaphore, #tpu.memory_space<semaphore_mem>> -> memref<1x!tpu.dma_semaphore, #tpu.memory_space<semaphore_mem>>
    %dma_wait3A_306 = tpu.memref_squeeze %dma_wait3A_305 : memref<1x!tpu.dma_semaphore, #tpu.memory_space<semaphore_mem>> -> memref<!tpu.dma_semaphore, #tpu.memory_space<semaphore_mem>>
    %dma_wait3A_307 = arith.constant 0 : i32
    %dma_wait3A_308 = tpu.memref_slice %arg6[%dma_wait3A_296, %add3A_186, %dma_wait3A_307] : memref<2x16384x128xf32, #tpu.memory_space<hbm>> -> memref<1x256x128xf32, #tpu.memory_space<hbm>>
    %dma_wait3A_309 = tpu.memref_squeeze %dma_wait3A_308 : memref<1x256x128xf32, #tpu.memory_space<hbm>> -> memref<256x128xf32, #tpu.memory_space<hbm>>
    %dma_wait3A_310 = arith.constant 0 : i32
    %dma_wait3A_311 = arith.constant 0 : i32
    %dma_wait3A_312 = tpu.memref_slice %arg10[%dma_wait3A_295, %dma_wait3A_310, %dma_wait3A_311] : memref<3x256x128xf32, #tpu.memory_space<vmem>> -> memref<1x256x128xf32, #tpu.memory_space<vmem>>
    %dma_wait3A_313 = tpu.memref_squeeze %dma_wait3A_312 : memref<1x256x128xf32, #tpu.memory_space<vmem>> -> memref<256x128xf32, #tpu.memory_space<vmem>>
    tpu.wait_dma2 semaphore(%dma_wait3A_306 : memref<!tpu.dma_semaphore, #tpu.memory_space<semaphore_mem>>) src(%dma_wait3A_313 : memref<256x128xf32, #tpu.memory_space<vmem>>) dst(%dma_wait3A_309 : memref<256x128xf32, #tpu.memory_space<hbm>>)
    %dma_start3A_314 = arith.constant 1 : i32
    %dma_start3A_315 = arith.constant 2 : i32
    %dma_start3A_316 = arith.constant 0 : i32
    %dma_start3A_317 = arith.constant 0 : i32
    %dma_start3A_318 = arith.constant 0 : i32
    %dma_start3A_319 = arith.constant 0 : i32
    %dma_start3A_320 = arith.constant 0 : i32
    %dma_start3A_321 = tpu.memref_slice %arg10[%dma_start3A_316, %dma_start3A_319, %dma_start3A_320] : memref<3x256x128xf32, #tpu.memory_space<vmem>> -> memref<1x128x128xf32, #tpu.memory_space<vmem>>
    %dma_start3A_322 = tpu.memref_squeeze %dma_start3A_321 : memref<1x128x128xf32, #tpu.memory_space<vmem>> -> memref<128x128xf32, #tpu.memory_space<vmem>>
    %dma_start3A_323 = arith.constant 0 : i32
    %dma_start3A_324 = tpu.memref_slice %arg7[%dma_start3A_314, %dma_start3A_315, %dma_start3A_323] : memref<2x4x128xi32, #tpu.memory_space<vmem>> -> memref<1x1x128xi32, #tpu.memory_space<vmem>>
    %dma_start3A_325 = tpu.memref_squeeze %dma_start3A_324 : memref<1x1x128xi32, #tpu.memory_space<vmem>> -> memref<128xi32, #tpu.memory_space<vmem>>
    %dma_start3A_326 = arith.constant 0 : i32
    %dma_start3A_327 = arith.constant 0 : i32
    %dma_start3A_328 = tpu.memref_slice %arg9[%dma_start3A_326, %dma_start3A_327] : memref<100x128xf32, #tpu.memory_space<vmem_shared>> -> memref<100x128xf32, #tpu.memory_space<vmem_shared>>
    %dma_start3A_329 = tpu.memref_slice %arg11[%dma_start3A_317, %dma_start3A_318] : memref<3x2x!tpu.dma_semaphore, #tpu.memory_space<semaphore_mem>> -> memref<1x1x!tpu.dma_semaphore, #tpu.memory_space<semaphore_mem>>
    %dma_start3A_330 = tpu.memref_squeeze %dma_start3A_329 : memref<1x1x!tpu.dma_semaphore, #tpu.memory_space<semaphore_mem>> -> memref<!tpu.dma_semaphore, #tpu.memory_space<semaphore_mem>>
    tpu.enqueue_indirect_dma source(%dma_start3A_328 : memref<100x128xf32, #tpu.memory_space<vmem_shared>>) target(%dma_start3A_322 : memref<128x128xf32, #tpu.memory_space<vmem>>) offsets(%dma_start3A_325 : memref<128xi32, #tpu.memory_space<vmem>>) semaphore(%dma_start3A_330 : memref<!tpu.dma_semaphore, #tpu.memory_space<semaphore_mem>>)
    %dma_start3A_331 = arith.constant 1 : i32
    %dma_start3A_332 = arith.constant 3 : i32
    %dma_start3A_333 = arith.constant 0 : i32
    %dma_start3A_334 = arith.constant 0 : i32
    %dma_start3A_335 = arith.constant 1 : i32
    %dma_start3A_336 = arith.constant 128 : i32
    %dma_start3A_337 = arith.constant 0 : i32
    %dma_start3A_338 = tpu.memref_slice %arg10[%dma_start3A_333, %dma_start3A_336, %dma_start3A_337] : memref<3x256x128xf32, #tpu.memory_space<vmem>> -> memref<1x128x128xf32, #tpu.memory_space<vmem>>
    %dma_start3A_339 = tpu.memref_squeeze %dma_start3A_338 : memref<1x128x128xf32, #tpu.memory_space<vmem>> -> memref<128x128xf32, #tpu.memory_space<vmem>>
    %dma_start3A_340 = arith.constant 0 : i32
    %dma_start3A_341 = tpu.memref_slice %arg7[%dma_start3A_331, %dma_start3A_332, %dma_start3A_340] : memref<2x4x128xi32, #tpu.memory_space<vmem>> -> memref<1x1x128xi32, #tpu.memory_space<vmem>>
    %dma_start3A_342 = tpu.memref_squeeze %dma_start3A_341 : memref<1x1x128xi32, #tpu.memory_space<vmem>> -> memref<128xi32, #tpu.memory_space<vmem>>
    %dma_start3A_343 = arith.constant 0 : i32
    %dma_start3A_344 = arith.constant 0 : i32
    %dma_start3A_345 = tpu.memref_slice %arg9[%dma_start3A_343, %dma_start3A_344] : memref<100x128xf32, #tpu.memory_space<vmem_shared>> -> memref<100x128xf32, #tpu.memory_space<vmem_shared>>
    %dma_start3A_346 = tpu.memref_slice %arg11[%dma_start3A_334, %dma_start3A_335] : memref<3x2x!tpu.dma_semaphore, #tpu.memory_space<semaphore_mem>> -> memref<1x1x!tpu.dma_semaphore, #tpu.memory_space<semaphore_mem>>
    %dma_start3A_347 = tpu.memref_squeeze %dma_start3A_346 : memref<1x1x!tpu.dma_semaphore, #tpu.memory_space<semaphore_mem>> -> memref<!tpu.dma_semaphore, #tpu.memory_space<semaphore_mem>>
    tpu.enqueue_indirect_dma source(%dma_start3A_345 : memref<100x128xf32, #tpu.memory_space<vmem_shared>>) target(%dma_start3A_339 : memref<128x128xf32, #tpu.memory_space<vmem>>) offsets(%dma_start3A_342 : memref<128xi32, #tpu.memory_space<vmem>>) semaphore(%dma_start3A_347 : memref<!tpu.dma_semaphore, #tpu.memory_space<semaphore_mem>>)
    %dma_wait3A_348 = arith.constant 1 : i32
    %dma_wait3A_349 = arith.constant 0 : i32
    %dma_wait3A_350 = arith.constant 2 : i32
    %dma_wait3A_351 = arith.constant 2 : i32
    %dma_wait3A_352 = arith.constant 0 : i32
    %dma_wait3A_353 = arith.constant 0 : i32
    %dma_wait3A_354 = arith.constant 0 : i32
    %dma_wait3A_355 = tpu.memref_slice %arg10[%dma_wait3A_350, %dma_wait3A_353, %dma_wait3A_354] : memref<3x256x128xf32, #tpu.memory_space<vmem>> -> memref<1x128x128xf32, #tpu.memory_space<vmem>>
    %dma_wait3A_356 = tpu.memref_squeeze %dma_wait3A_355 : memref<1x128x128xf32, #tpu.memory_space<vmem>> -> memref<128x128xf32, #tpu.memory_space<vmem>>
    %dma_wait3A_357 = arith.constant 0 : i32
    %dma_wait3A_358 = tpu.memref_slice %arg7[%dma_wait3A_348, %dma_wait3A_349, %dma_wait3A_357] : memref<2x4x128xi32, #tpu.memory_space<vmem>> -> memref<1x1x128xi32, #tpu.memory_space<vmem>>
    %dma_wait3A_359 = tpu.memref_squeeze %dma_wait3A_358 : memref<1x1x128xi32, #tpu.memory_space<vmem>> -> memref<128xi32, #tpu.memory_space<vmem>>
    %dma_wait3A_360 = arith.constant 0 : i32
    %dma_wait3A_361 = arith.constant 0 : i32
    %dma_wait3A_362 = tpu.memref_slice %arg9[%dma_wait3A_360, %dma_wait3A_361] : memref<100x128xf32, #tpu.memory_space<vmem_shared>> -> memref<100x128xf32, #tpu.memory_space<vmem_shared>>
    %dma_wait3A_363 = tpu.memref_slice %arg11[%dma_wait3A_351, %dma_wait3A_352] : memref<3x2x!tpu.dma_semaphore, #tpu.memory_space<semaphore_mem>> -> memref<1x1x!tpu.dma_semaphore, #tpu.memory_space<semaphore_mem>>
    %dma_wait3A_364 = tpu.memref_squeeze %dma_wait3A_363 : memref<1x1x!tpu.dma_semaphore, #tpu.memory_space<semaphore_mem>> -> memref<!tpu.dma_semaphore, #tpu.memory_space<semaphore_mem>>
    tpu.wait_indirect_dma semaphore(%dma_wait3A_364 : memref<!tpu.dma_semaphore, #tpu.memory_space<semaphore_mem>>) src(%dma_wait3A_362 : memref<100x128xf32, #tpu.memory_space<vmem_shared>>) dst(%dma_wait3A_356 : memref<128x128xf32, #tpu.memory_space<vmem>>)
    %dma_wait3A_365 = arith.constant 1 : i32
    %dma_wait3A_366 = arith.constant 1 : i32
    %dma_wait3A_367 = arith.constant 2 : i32
    %dma_wait3A_368 = arith.constant 2 : i32
    %dma_wait3A_369 = arith.constant 1 : i32
    %dma_wait3A_370 = arith.constant 128 : i32
    %dma_wait3A_371 = arith.constant 0 : i32
    %dma_wait3A_372 = tpu.memref_slice %arg10[%dma_wait3A_367, %dma_wait3A_370, %dma_wait3A_371] : memref<3x256x128xf32, #tpu.memory_space<vmem>> -> memref<1x128x128xf32, #tpu.memory_space<vmem>>
    %dma_wait3A_373 = tpu.memref_squeeze %dma_wait3A_372 : memref<1x128x128xf32, #tpu.memory_space<vmem>> -> memref<128x128xf32, #tpu.memory_space<vmem>>
    %dma_wait3A_374 = arith.constant 0 : i32
    %dma_wait3A_375 = tpu.memref_slice %arg7[%dma_wait3A_365, %dma_wait3A_366, %dma_wait3A_374] : memref<2x4x128xi32, #tpu.memory_space<vmem>> -> memref<1x1x128xi32, #tpu.memory_space<vmem>>
    %dma_wait3A_376 = tpu.memref_squeeze %dma_wait3A_375 : memref<1x1x128xi32, #tpu.memory_space<vmem>> -> memref<128xi32, #tpu.memory_space<vmem>>
    %dma_wait3A_377 = arith.constant 0 : i32
    %dma_wait3A_378 = arith.constant 0 : i32
    %dma_wait3A_379 = tpu.memref_slice %arg9[%dma_wait3A_377, %dma_wait3A_378] : memref<100x128xf32, #tpu.memory_space<vmem_shared>> -> memref<100x128xf32, #tpu.memory_space<vmem_shared>>
    %dma_wait3A_380 = tpu.memref_slice %arg11[%dma_wait3A_368, %dma_wait3A_369] : memref<3x2x!tpu.dma_semaphore, #tpu.memory_space<semaphore_mem>> -> memref<1x1x!tpu.dma_semaphore, #tpu.memory_space<semaphore_mem>>
    %dma_wait3A_381 = tpu.memref_squeeze %dma_wait3A_380 : memref<1x1x!tpu.dma_semaphore, #tpu.memory_space<semaphore_mem>> -> memref<!tpu.dma_semaphore, #tpu.memory_space<semaphore_mem>>
    tpu.wait_indirect_dma semaphore(%dma_wait3A_381 : memref<!tpu.dma_semaphore, #tpu.memory_space<semaphore_mem>>) src(%dma_wait3A_379 : memref<100x128xf32, #tpu.memory_space<vmem_shared>>) dst(%dma_wait3A_373 : memref<128x128xf32, #tpu.memory_space<vmem>>)
    %add3A_382 = arith.constant 0 : i32
    %add3A_383 = arith.addi %mul3A_2, %add3A_382 : i32
    %dma_start3A_384 = arith.constant 2 : i32
    %dma_start3A_385 = arith.constant 1 : i32
    %dma_start3A_386 = arith.constant 2 : i32
    %dma_start3A_387 = arith.constant 0 : i32
    %dma_start3A_388 = arith.constant 0 : i32
    %dma_start3A_389 = tpu.memref_slice %arg10[%dma_start3A_384, %dma_start3A_387, %dma_start3A_388] : memref<3x256x128xf32, #tpu.memory_space<vmem>> -> memref<1x256x128xf32, #tpu.memory_space<vmem>>
    %dma_start3A_390 = tpu.memref_squeeze %dma_start3A_389 : memref<1x256x128xf32, #tpu.memory_space<vmem>> -> memref<256x128xf32, #tpu.memory_space<vmem>>
    %dma_start3A_391 = arith.constant 0 : i32
    %dma_start3A_392 = tpu.memref_slice %arg6[%dma_start3A_385, %add3A_383, %dma_start3A_391] : memref<2x16384x128xf32, #tpu.memory_space<hbm>> -> memref<1x256x128xf32, #tpu.memory_space<hbm>>
    %dma_start3A_393 = tpu.memref_squeeze %dma_start3A_392 : memref<1x256x128xf32, #tpu.memory_space<hbm>> -> memref<256x128xf32, #tpu.memory_space<hbm>>
    %dma_start3A_394 = tpu.memref_slice %arg12[%dma_start3A_386] : memref<3x!tpu.dma_semaphore, #tpu.memory_space<semaphore_mem>> -> memref<1x!tpu.dma_semaphore, #tpu.memory_space<semaphore_mem>>
    %dma_start3A_395 = tpu.memref_squeeze %dma_start3A_394 : memref<1x!tpu.dma_semaphore, #tpu.memory_space<semaphore_mem>> -> memref<!tpu.dma_semaphore, #tpu.memory_space<semaphore_mem>>
    %dma_start3A_396 = arith.constant 0 : i32
    %dma_start3A_397 = tpu.memref_slice %arg6[%dma_start3A_385, %add3A_383, %dma_start3A_396] : memref<2x16384x128xf32, #tpu.memory_space<hbm>> -> memref<1x256x128xf32, #tpu.memory_space<hbm>>
    %dma_start3A_398 = tpu.memref_squeeze %dma_start3A_397 : memref<1x256x128xf32, #tpu.memory_space<hbm>> -> memref<256x128xf32, #tpu.memory_space<hbm>>
    %dma_start3A_399 = arith.constant 0 : i32
    %dma_start3A_400 = arith.constant 0 : i32
    %dma_start3A_401 = tpu.memref_slice %arg10[%dma_start3A_384, %dma_start3A_399, %dma_start3A_400] : memref<3x256x128xf32, #tpu.memory_space<vmem>> -> memref<1x256x128xf32, #tpu.memory_space<vmem>>
    %dma_start3A_402 = tpu.memref_squeeze %dma_start3A_401 : memref<1x256x128xf32, #tpu.memory_space<vmem>> -> memref<256x128xf32, #tpu.memory_space<vmem>>
    tpu.enqueue_dma source(%dma_start3A_402 : memref<256x128xf32, #tpu.memory_space<vmem>>) target(%dma_start3A_398 : memref<256x128xf32, #tpu.memory_space<hbm>>) target_semaphore(%dma_start3A_395 : memref<!tpu.dma_semaphore, #tpu.memory_space<semaphore_mem>>)
    %dma_wait3A_403 = arith.constant 1 : i32
    %dma_wait3A_404 = arith.constant 2 : i32
    %dma_wait3A_405 = arith.constant 0 : i32
    %dma_wait3A_406 = arith.constant 0 : i32
    %dma_wait3A_407 = arith.constant 0 : i32
    %dma_wait3A_408 = arith.constant 0 : i32
    %dma_wait3A_409 = arith.constant 0 : i32
    %dma_wait3A_410 = tpu.memref_slice %arg10[%dma_wait3A_405, %dma_wait3A_408, %dma_wait3A_409] : memref<3x256x128xf32, #tpu.memory_space<vmem>> -> memref<1x128x128xf32, #tpu.memory_space<vmem>>
    %dma_wait3A_411 = tpu.memref_squeeze %dma_wait3A_410 : memref<1x128x128xf32, #tpu.memory_space<vmem>> -> memref<128x128xf32, #tpu.memory_space<vmem>>
    %dma_wait3A_412 = arith.constant 0 : i32
    %dma_wait3A_413 = tpu.memref_slice %arg7[%dma_wait3A_403, %dma_wait3A_404, %dma_wait3A_412] : memref<2x4x128xi32, #tpu.memory_space<vmem>> -> memref<1x1x128xi32, #tpu.memory_space<vmem>>
    %dma_wait3A_414 = tpu.memref_squeeze %dma_wait3A_413 : memref<1x1x128xi32, #tpu.memory_space<vmem>> -> memref<128xi32, #tpu.memory_space<vmem>>
    %dma_wait3A_415 = arith.constant 0 : i32
    %dma_wait3A_416 = arith.constant 0 : i32
    %dma_wait3A_417 = tpu.memref_slice %arg9[%dma_wait3A_415, %dma_wait3A_416] : memref<100x128xf32, #tpu.memory_space<vmem_shared>> -> memref<100x128xf32, #tpu.memory_space<vmem_shared>>
    %dma_wait3A_418 = tpu.memref_slice %arg11[%dma_wait3A_406, %dma_wait3A_407] : memref<3x2x!tpu.dma_semaphore, #tpu.memory_space<semaphore_mem>> -> memref<1x1x!tpu.dma_semaphore, #tpu.memory_space<semaphore_mem>>
    %dma_wait3A_419 = tpu.memref_squeeze %dma_wait3A_418 : memref<1x1x!tpu.dma_semaphore, #tpu.memory_space<semaphore_mem>> -> memref<!tpu.dma_semaphore, #tpu.memory_space<semaphore_mem>>
    tpu.wait_indirect_dma semaphore(%dma_wait3A_419 : memref<!tpu.dma_semaphore, #tpu.memory_space<semaphore_mem>>) src(%dma_wait3A_417 : memref<100x128xf32, #tpu.memory_space<vmem_shared>>) dst(%dma_wait3A_411 : memref<128x128xf32, #tpu.memory_space<vmem>>)
    %dma_wait3A_420 = arith.constant 1 : i32
    %dma_wait3A_421 = arith.constant 3 : i32
    %dma_wait3A_422 = arith.constant 0 : i32
    %dma_wait3A_423 = arith.constant 0 : i32
    %dma_wait3A_424 = arith.constant 1 : i32
    %dma_wait3A_425 = arith.constant 128 : i32
    %dma_wait3A_426 = arith.constant 0 : i32
    %dma_wait3A_427 = tpu.memref_slice %arg10[%dma_wait3A_422, %dma_wait3A_425, %dma_wait3A_426] : memref<3x256x128xf32, #tpu.memory_space<vmem>> -> memref<1x128x128xf32, #tpu.memory_space<vmem>>
    %dma_wait3A_428 = tpu.memref_squeeze %dma_wait3A_427 : memref<1x128x128xf32, #tpu.memory_space<vmem>> -> memref<128x128xf32, #tpu.memory_space<vmem>>
    %dma_wait3A_429 = arith.constant 0 : i32
    %dma_wait3A_430 = tpu.memref_slice %arg7[%dma_wait3A_420, %dma_wait3A_421, %dma_wait3A_429] : memref<2x4x128xi32, #tpu.memory_space<vmem>> -> memref<1x1x128xi32, #tpu.memory_space<vmem>>
    %dma_wait3A_431 = tpu.memref_squeeze %dma_wait3A_430 : memref<1x1x128xi32, #tpu.memory_space<vmem>> -> memref<128xi32, #tpu.memory_space<vmem>>
    %dma_wait3A_432 = arith.constant 0 : i32
    %dma_wait3A_433 = arith.constant 0 : i32
    %dma_wait3A_434 = tpu.memref_slice %arg9[%dma_wait3A_432, %dma_wait3A_433] : memref<100x128xf32, #tpu.memory_space<vmem_shared>> -> memref<100x128xf32, #tpu.memory_space<vmem_shared>>
    %dma_wait3A_435 = tpu.memref_slice %arg11[%dma_wait3A_423, %dma_wait3A_424] : memref<3x2x!tpu.dma_semaphore, #tpu.memory_space<semaphore_mem>> -> memref<1x1x!tpu.dma_semaphore, #tpu.memory_space<semaphore_mem>>
    %dma_wait3A_436 = tpu.memref_squeeze %dma_wait3A_435 : memref<1x1x!tpu.dma_semaphore, #tpu.memory_space<semaphore_mem>> -> memref<!tpu.dma_semaphore, #tpu.memory_space<semaphore_mem>>
    tpu.wait_indirect_dma semaphore(%dma_wait3A_436 : memref<!tpu.dma_semaphore, #tpu.memory_space<semaphore_mem>>) src(%dma_wait3A_434 : memref<100x128xf32, #tpu.memory_space<vmem_shared>>) dst(%dma_wait3A_428 : memref<128x128xf32, #tpu.memory_space<vmem>>)
    %add3A_437 = arith.constant 256 : i32
    %add3A_438 = arith.addi %mul3A_2, %add3A_437 : i32
    %dma_start3A_439 = arith.constant 0 : i32
    %dma_start3A_440 = arith.constant 1 : i32
    %dma_start3A_441 = arith.constant 0 : i32
    %dma_start3A_442 = arith.constant 0 : i32
    %dma_start3A_443 = arith.constant 0 : i32
    %dma_start3A_444 = tpu.memref_slice %arg10[%dma_start3A_439, %dma_start3A_442, %dma_start3A_443] : memref<3x256x128xf32, #tpu.memory_space<vmem>> -> memref<1x256x128xf32, #tpu.memory_space<vmem>>
    %dma_start3A_445 = tpu.memref_squeeze %dma_start3A_444 : memref<1x256x128xf32, #tpu.memory_space<vmem>> -> memref<256x128xf32, #tpu.memory_space<vmem>>
    %dma_start3A_446 = arith.constant 0 : i32
    %dma_start3A_447 = tpu.memref_slice %arg6[%dma_start3A_440, %add3A_438, %dma_start3A_446] : memref<2x16384x128xf32, #tpu.memory_space<hbm>> -> memref<1x256x128xf32, #tpu.memory_space<hbm>>
    %dma_start3A_448 = tpu.memref_squeeze %dma_start3A_447 : memref<1x256x128xf32, #tpu.memory_space<hbm>> -> memref<256x128xf32, #tpu.memory_space<hbm>>
    %dma_start3A_449 = tpu.memref_slice %arg12[%dma_start3A_441] : memref<3x!tpu.dma_semaphore, #tpu.memory_space<semaphore_mem>> -> memref<1x!tpu.dma_semaphore, #tpu.memory_space<semaphore_mem>>
    %dma_start3A_450 = tpu.memref_squeeze %dma_start3A_449 : memref<1x!tpu.dma_semaphore, #tpu.memory_space<semaphore_mem>> -> memref<!tpu.dma_semaphore, #tpu.memory_space<semaphore_mem>>
    %dma_start3A_451 = arith.constant 0 : i32
    %dma_start3A_452 = tpu.memref_slice %arg6[%dma_start3A_440, %add3A_438, %dma_start3A_451] : memref<2x16384x128xf32, #tpu.memory_space<hbm>> -> memref<1x256x128xf32, #tpu.memory_space<hbm>>
    %dma_start3A_453 = tpu.memref_squeeze %dma_start3A_452 : memref<1x256x128xf32, #tpu.memory_space<hbm>> -> memref<256x128xf32, #tpu.memory_space<hbm>>
    %dma_start3A_454 = arith.constant 0 : i32
    %dma_start3A_455 = arith.constant 0 : i32
    %dma_start3A_456 = tpu.memref_slice %arg10[%dma_start3A_439, %dma_start3A_454, %dma_start3A_455] : memref<3x256x128xf32, #tpu.memory_space<vmem>> -> memref<1x256x128xf32, #tpu.memory_space<vmem>>
    %dma_start3A_457 = tpu.memref_squeeze %dma_start3A_456 : memref<1x256x128xf32, #tpu.memory_space<vmem>> -> memref<256x128xf32, #tpu.memory_space<vmem>>
    tpu.enqueue_dma source(%dma_start3A_457 : memref<256x128xf32, #tpu.memory_space<vmem>>) target(%dma_start3A_453 : memref<256x128xf32, #tpu.memory_space<hbm>>) target_semaphore(%dma_start3A_450 : memref<!tpu.dma_semaphore, #tpu.memory_space<semaphore_mem>>)
    %dma_wait3A_458 = arith.constant 1 : i32
    %dma_wait3A_459 = arith.constant 0 : i32
    %dma_wait3A_460 = arith.constant 1 : i32
    %dma_wait3A_461 = arith.constant 0 : i32
    %dma_wait3A_462 = arith.constant 0 : i32
    %dma_wait3A_463 = tpu.memref_slice %arg10[%dma_wait3A_458, %dma_wait3A_461, %dma_wait3A_462] : memref<3x256x128xf32, #tpu.memory_space<vmem>> -> memref<1x256x128xf32, #tpu.memory_space<vmem>>
    %dma_wait3A_464 = tpu.memref_squeeze %dma_wait3A_463 : memref<1x256x128xf32, #tpu.memory_space<vmem>> -> memref<256x128xf32, #tpu.memory_space<vmem>>
    %dma_wait3A_465 = arith.constant 0 : i32
    %dma_wait3A_466 = tpu.memref_slice %arg6[%dma_wait3A_459, %add3A_275, %dma_wait3A_465] : memref<2x16384x128xf32, #tpu.memory_space<hbm>> -> memref<1x256x128xf32, #tpu.memory_space<hbm>>
    %dma_wait3A_467 = tpu.memref_squeeze %dma_wait3A_466 : memref<1x256x128xf32, #tpu.memory_space<hbm>> -> memref<256x128xf32, #tpu.memory_space<hbm>>
    %dma_wait3A_468 = tpu.memref_slice %arg12[%dma_wait3A_460] : memref<3x!tpu.dma_semaphore, #tpu.memory_space<semaphore_mem>> -> memref<1x!tpu.dma_semaphore, #tpu.memory_space<semaphore_mem>>
    %dma_wait3A_469 = tpu.memref_squeeze %dma_wait3A_468 : memref<1x!tpu.dma_semaphore, #tpu.memory_space<semaphore_mem>> -> memref<!tpu.dma_semaphore, #tpu.memory_space<semaphore_mem>>
    %dma_wait3A_470 = arith.constant 0 : i32
    %dma_wait3A_471 = tpu.memref_slice %arg6[%dma_wait3A_459, %add3A_275, %dma_wait3A_470] : memref<2x16384x128xf32, #tpu.memory_space<hbm>> -> memref<1x256x128xf32, #tpu.memory_space<hbm>>
    %dma_wait3A_472 = tpu.memref_squeeze %dma_wait3A_471 : memref<1x256x128xf32, #tpu.memory_space<hbm>> -> memref<256x128xf32, #tpu.memory_space<hbm>>
    %dma_wait3A_473 = arith.constant 0 : i32
    %dma_wait3A_474 = arith.constant 0 : i32
    %dma_wait3A_475 = tpu.memref_slice %arg10[%dma_wait3A_458, %dma_wait3A_473, %dma_wait3A_474] : memref<3x256x128xf32, #tpu.memory_space<vmem>> -> memref<1x256x128xf32, #tpu.memory_space<vmem>>
    %dma_wait3A_476 = tpu.memref_squeeze %dma_wait3A_475 : memref<1x256x128xf32, #tpu.memory_space<vmem>> -> memref<256x128xf32, #tpu.memory_space<vmem>>
    tpu.wait_dma2 semaphore(%dma_wait3A_469 : memref<!tpu.dma_semaphore, #tpu.memory_space<semaphore_mem>>) src(%dma_wait3A_476 : memref<256x128xf32, #tpu.memory_space<vmem>>) dst(%dma_wait3A_472 : memref<256x128xf32, #tpu.memory_space<hbm>>)
    %dma_wait3A_477 = arith.constant 2 : i32
    %dma_wait3A_478 = arith.constant 1 : i32
    %dma_wait3A_479 = arith.constant 2 : i32
    %dma_wait3A_480 = arith.constant 0 : i32
    %dma_wait3A_481 = arith.constant 0 : i32
    %dma_wait3A_482 = tpu.memref_slice %arg10[%dma_wait3A_477, %dma_wait3A_480, %dma_wait3A_481] : memref<3x256x128xf32, #tpu.memory_space<vmem>> -> memref<1x256x128xf32, #tpu.memory_space<vmem>>
    %dma_wait3A_483 = tpu.memref_squeeze %dma_wait3A_482 : memref<1x256x128xf32, #tpu.memory_space<vmem>> -> memref<256x128xf32, #tpu.memory_space<vmem>>
    %dma_wait3A_484 = arith.constant 0 : i32
    %dma_wait3A_485 = tpu.memref_slice %arg6[%dma_wait3A_478, %add3A_383, %dma_wait3A_484] : memref<2x16384x128xf32, #tpu.memory_space<hbm>> -> memref<1x256x128xf32, #tpu.memory_space<hbm>>
    %dma_wait3A_486 = tpu.memref_squeeze %dma_wait3A_485 : memref<1x256x128xf32, #tpu.memory_space<hbm>> -> memref<256x128xf32, #tpu.memory_space<hbm>>
    %dma_wait3A_487 = tpu.memref_slice %arg12[%dma_wait3A_479] : memref<3x!tpu.dma_semaphore, #tpu.memory_space<semaphore_mem>> -> memref<1x!tpu.dma_semaphore, #tpu.memory_space<semaphore_mem>>
    %dma_wait3A_488 = tpu.memref_squeeze %dma_wait3A_487 : memref<1x!tpu.dma_semaphore, #tpu.memory_space<semaphore_mem>> -> memref<!tpu.dma_semaphore, #tpu.memory_space<semaphore_mem>>
    %dma_wait3A_489 = arith.constant 0 : i32
    %dma_wait3A_490 = tpu.memref_slice %arg6[%dma_wait3A_478, %add3A_383, %dma_wait3A_489] : memref<2x16384x128xf32, #tpu.memory_space<hbm>> -> memref<1x256x128xf32, #tpu.memory_space<hbm>>
    %dma_wait3A_491 = tpu.memref_squeeze %dma_wait3A_490 : memref<1x256x128xf32, #tpu.memory_space<hbm>> -> memref<256x128xf32, #tpu.memory_space<hbm>>
    %dma_wait3A_492 = arith.constant 0 : i32
    %dma_wait3A_493 = arith.constant 0 : i32
    %dma_wait3A_494 = tpu.memref_slice %arg10[%dma_wait3A_477, %dma_wait3A_492, %dma_wait3A_493] : memref<3x256x128xf32, #tpu.memory_space<vmem>> -> memref<1x256x128xf32, #tpu.memory_space<vmem>>
    %dma_wait3A_495 = tpu.memref_squeeze %dma_wait3A_494 : memref<1x256x128xf32, #tpu.memory_space<vmem>> -> memref<256x128xf32, #tpu.memory_space<vmem>>
    tpu.wait_dma2 semaphore(%dma_wait3A_488 : memref<!tpu.dma_semaphore, #tpu.memory_space<semaphore_mem>>) src(%dma_wait3A_495 : memref<256x128xf32, #tpu.memory_space<vmem>>) dst(%dma_wait3A_491 : memref<256x128xf32, #tpu.memory_space<hbm>>)
    %dma_wait3A_496 = arith.constant 0 : i32
    %dma_wait3A_497 = arith.constant 1 : i32
    %dma_wait3A_498 = arith.constant 0 : i32
    %dma_wait3A_499 = arith.constant 0 : i32
    %dma_wait3A_500 = arith.constant 0 : i32
    %dma_wait3A_501 = tpu.memref_slice %arg10[%dma_wait3A_496, %dma_wait3A_499, %dma_wait3A_500] : memref<3x256x128xf32, #tpu.memory_space<vmem>> -> memref<1x256x128xf32, #tpu.memory_space<vmem>>
    %dma_wait3A_502 = tpu.memref_squeeze %dma_wait3A_501 : memref<1x256x128xf32, #tpu.memory_space<vmem>> -> memref<256x128xf32, #tpu.memory_space<vmem>>
    %dma_wait3A_503 = arith.constant 0 : i32
    %dma_wait3A_504 = tpu.memref_slice %arg6[%dma_wait3A_497, %add3A_438, %dma_wait3A_503] : memref<2x16384x128xf32, #tpu.memory_space<hbm>> -> memref<1x256x128xf32, #tpu.memory_space<hbm>>
    %dma_wait3A_505 = tpu.memref_squeeze %dma_wait3A_504 : memref<1x256x128xf32, #tpu.memory_space<hbm>> -> memref<256x128xf32, #tpu.memory_space<hbm>>
    %dma_wait3A_506 = tpu.memref_slice %arg12[%dma_wait3A_498] : memref<3x!tpu.dma_semaphore, #tpu.memory_space<semaphore_mem>> -> memref<1x!tpu.dma_semaphore, #tpu.memory_space<semaphore_mem>>
    %dma_wait3A_507 = tpu.memref_squeeze %dma_wait3A_506 : memref<1x!tpu.dma_semaphore, #tpu.memory_space<semaphore_mem>> -> memref<!tpu.dma_semaphore, #tpu.memory_space<semaphore_mem>>
    %dma_wait3A_508 = arith.constant 0 : i32
    %dma_wait3A_509 = tpu.memref_slice %arg6[%dma_wait3A_497, %add3A_438, %dma_wait3A_508] : memref<2x16384x128xf32, #tpu.memory_space<hbm>> -> memref<1x256x128xf32, #tpu.memory_space<hbm>>
    %dma_wait3A_510 = tpu.memref_squeeze %dma_wait3A_509 : memref<1x256x128xf32, #tpu.memory_space<hbm>> -> memref<256x128xf32, #tpu.memory_space<hbm>>
    %dma_wait3A_511 = arith.constant 0 : i32
    %dma_wait3A_512 = arith.constant 0 : i32
    %dma_wait3A_513 = tpu.memref_slice %arg10[%dma_wait3A_496, %dma_wait3A_511, %dma_wait3A_512] : memref<3x256x128xf32, #tpu.memory_space<vmem>> -> memref<1x256x128xf32, #tpu.memory_space<vmem>>
    %dma_wait3A_514 = tpu.memref_squeeze %dma_wait3A_513 : memref<1x256x128xf32, #tpu.memory_space<vmem>> -> memref<256x128xf32, #tpu.memory_space<vmem>>
    tpu.wait_dma2 semaphore(%dma_wait3A_507 : memref<!tpu.dma_semaphore, #tpu.memory_space<semaphore_mem>>) src(%dma_wait3A_514 : memref<256x128xf32, #tpu.memory_space<vmem>>) dst(%dma_wait3A_510 : memref<256x128xf32, #tpu.memory_space<hbm>>)
    return
  }
}

</mosaic_0001>

<sc_bundles>
// kernel: kernel.3.cloned.1.call-start
scs
__scs_entry_jumppad:
0x0: {  	(pc) =	sbr.rel $0x88, $3  }
0x1: {  	(tag) =	ssettag $0x0;
	lr =	simm.s32 $0x1  }
0x2: {  	[smem:$0x3F9D] =	sst lr;
	_ =	strace $0xD0000000  }
0x3: {  	_ = 	snop  }
0x4: {  	_ = 	snop  }
0x5: {  	_ = 	snop  }
0x6: {  	_ = 	snop  }
0x7: {  	_ = 	snop  }
__scs_overlays_trampoline_lowered:
0x8: {  	[smem:$0x3FAC] =	sst s0  }
0x9: {  	[smem:$0x3FAD] =	sst s1  }
0xa: {  	[smem:$0x3FAE] =	sst s2  }
0xb: {  	[smem:$0x3FAF] =	sst s3  }
0xc: {  	[smem:$0x3FB0] =	sst s4  }
0xd: {  	[smem:$0x3FB1] =	sst s5  }
0xe: {  	[smem:$0x3FB2] =	sst s6  }
0xf: {  	[smem:$0x3FB3] =	sst s7  }
0x10: {  	[smem:$0x3FB4] =	sst s8  }
0x11: {  	[smem:$0x3FB5] =	sst s9;
	s0 =	simm.s32 @!p0 $0x0  }
0x12: {  	s1 =	sld [smem:$0x3F9B];
	s0 =	simm.s32 @p0 $0x1  }
0x13: {  	[smem:$0x3FB6] =	sst s0;
	s0 =	simm.s32 @!p1 $0x0  }
0x14: {  	s2 =	sld [smem:$0x3F9A];
	s0 =	simm.s32 @p1 $0x1  }
0x15: {  	[smem:$0x3FB7] =	sst s0;
	s0 =	simm.s32 @!p2 $0x0  }
0x16: {  	s3 =	sld [smem:$0x3FDB];
	s0 =	simm.s32 @p2 $0x1  }
0x17: {  	s4 =	simm.s32 $0x1BF5;
	[smem:$0x3FB9] =	sst s0  }
0x18: {  	s0 =	sld [smem:$0x3F9C];
	_ =	swait.ge [sflag:s4], $0x0  }
0x19: {  	s7 =	sld [smem:$0x3F9D]  }
0x1a: {  	s8 =	sadd.s32 $0xFFFFE003, lr  }
0x1b: {  	s9 =	sadd.s32 $0xFFFFFEF7, lr;
	s5 =	simm.s32 $0xFFFFFFFF;
	p2 =	slt.u32 s8, $0xFFFFF086  }
0x1c: {  	p1 =	slt.u32 s9, $0xF7A;
	s5 =	simm.s32 @!p2 $0x0  }
0x1d: {  	s5 =	simm.s32 @p1 $0x1;
	p0 =	seq.s32 s7, s2  }
0x1e: {  	s7 =	smul.u32 @!p0 $0xF7A, s2;
	p2 =	seq.s32 @!p0 s5, $0x0  }
0x1f: {  	s9 =	smul.u32 $0xF7A, s1;
	s8 =	simm.s32 @!p0 $0x1BF5;
	p2 =	por !p2, p0  }
0x20: {  	[sflag:s8] =	ssyncset.s32 @!p0 $0xFFFFF086;
	s6 =	sadd.s32 @!p0 s3, s7;
	s7 =	simm.s32 @!p0 $0x108  }
0x21: {  	s3 =	sadd.s32 s3, s9;
	s6 =	sadd.s32 @!p0 $0x88, s6;
	s7 =	simm.s32 @p2 $0x1082  }
0x22: {  	[simem:s7], [sflag:s8] =	dma.local @!p0 [hbm:s6], $0xF7A  }
0x23: {  	s9 =	sor.u32 $0xD0000000, s2;
	s6 =	simm.s32 $0x108;
	_ =	swait.ge @!p0 [sflag:s8], $0x0  }
0x24: {  	s3 =	sadd.s32 $0x88, s3;
	s6 =	simm.s32 @!p1 $0x1082;
	[sflag:s4] =	ssyncset.s32 $0xFFFFF086  }
0x25: {  	[simem:s6], [sflag:s4] =	dma.local [hbm:s3], $0xF7A  }
0x26: {  	[smem:$0x3F9D] =	sst s1;
	(tag) =	ssettag s2;
	_ =	strace s9  }
0x27: {  	s1 =	sld [smem:$0x3FAD]  }
0x28: {  	s2 =	sld [smem:$0x3FAE]  }
0x29: {  	s4 =	sld [smem:$0x3FB0]  }
0x2a: {  	p0 =	seq.s32 s5, $0x0;
	s5 =	sld [smem:$0x3FB1]  }
0x2b: {  	s6 =	sld [smem:$0x3FB2]  }
0x2c: {  	s7 =	sld [smem:$0x3FB3]  }
0x2d: {  	s3 =	simm.s32 $0x108;
	s8 =	sld [smem:$0x3FB4]  }
0x2e: {  	s3 =	simm.s32 @!p0 $0x1082;
	s9 =	sld [smem:$0x3FB5]  }
0x2f: {  	lr =	sadd.s32 s0, s3;
	s0 =	sld [smem:$0x3FAC]  }
0x30: {  	s3 =	sld [smem:$0x3FAF]  }
0x31: {  	[smem:$0x3FB8] =	sst s10  }
0x32: {  	s10 =	sld [smem:$0x3FB6];
	_ =	sdelay $0x3  }
0x33: {  	p0 =	seq.s32 s10, $0x1;
	s10 =	sld [smem:$0x3FB8];
	_ =	sdelay $0x3  }
0x34: {  	[smem:$0x3FB8] =	sst s10  }
0x35: {  	s10 =	sld [smem:$0x3FB7];
	_ =	sdelay $0x3  }
0x36: {  	p1 =	seq.s32 s10, $0x1;
	s10 =	sld [smem:$0x3FB8];
	_ =	sdelay $0x3  }
0x37: {  	[smem:$0x3FB8] =	sst s10  }
0x38: {  	s10 =	sld [smem:$0x3FB9]  }
0x39: {  	_ = 	snop;
	(pc) =	sbr.ind lr, $3  }
0x3a: {  	_ = 	snop  }
0x3b: {  	_ = 	snop  }
0x3c: {  	p2 =	seq.s32 s10, $0x1;
	s10 =	sld [smem:$0x3FB8]  }
0x3d: {  	_ =	shalt  }
0x3e: {  	_ =	shalt  }
0x3f: {  	_ =	shalt  }
0x40: {  	_ =	shalt  }
0x41: {  	_ =	shalt  }
0x42: {  	_ =	shalt  }
0x43: {  	_ =	shalt  }
0x44: {  	_ =	shalt  }
0x45: {  	_ =	shalt  }
0x46: {  	_ =	shalt  }
0x47: {  	_ =	shalt  }
0x48: {  	_ =	shalt  }
0x49: {  	_ =	shalt  }
0x4a: {  	_ =	shalt  }
0x4b: {  	_ =	shalt  }
0x4c: {  	_ =	shalt  }
0x4d: {  	_ =	shalt  }
0x4e: {  	_ =	shalt  }
0x4f: {  	_ =	shalt  }
0x50: {  	_ =	shalt  }
0x51: {  	_ =	shalt  }
0x52: {  	_ =	shalt  }
0x53: {  	_ =	shalt  }
0x54: {  	_ =	shalt  }
0x55: {  	_ =	shalt  }
0x56: {  	_ =	shalt  }
0x57: {  	_ =	shalt  }
0x58: {  	_ =	shalt  }
0x59: {  	_ =	shalt  }
0x5a: {  	_ =	shalt  }
0x5b: {  	_ =	shalt  }
0x5c: {  	_ =	shalt  }
0x5d: {  	_ =	shalt  }
0x5e: {  	_ =	shalt  }
0x5f: {  	_ =	shalt  }
0x60: {  	_ =	shalt  }
0x61: {  	_ =	shalt  }
0x62: {  	_ =	shalt  }
0x63: {  	_ =	shalt  }
0x64: {  	_ =	shalt  }
0x65: {  	_ =	shalt  }
0x66: {  	_ =	shalt  }
0x67: {  	_ =	shalt  }
0x68: {  	_ =	shalt  }
0x69: {  	_ =	shalt  }
0x6a: {  	_ =	shalt  }
0x6b: {  	_ =	shalt  }
0x6c: {  	_ =	shalt  }
0x6d: {  	_ =	shalt  }
0x6e: {  	_ =	shalt  }
0x6f: {  	_ =	shalt  }
0x70: {  	_ =	shalt  }
0x71: {  	_ =	shalt  }
0x72: {  	_ =	shalt  }
0x73: {  	_ =	shalt  }
0x74: {  	_ =	shalt  }
0x75: {  	_ =	shalt  }
0x76: {  	_ =	shalt  }
0x77: {  	_ =	shalt  }
0x78: {  	_ =	shalt  }
0x79: {  	_ =	shalt  }
0x7a: {  	_ =	shalt  }
0x7b: {  	_ =	shalt  }
0x7c: {  	_ =	shalt  }
0x7d: {  	_ =	shalt  }
0x7e: {  	_ =	shalt  }
0x7f: {  	_ =	shalt  }
0x80: {  	_ =	shalt  }
0x81: {  	_ =	shalt  }
0x82: {  	_ =	shalt  }
0x83: {  	_ =	shalt  }
0x84: {  	_ =	shalt  }
0x85: {  	_ =	shalt  }
0x86: {  	_ =	shalt  }
0x87: {  	_ =	shalt  }
.Lfunc_end0:
.L_simem_size_0:
called_computation_lowered:
.L_overlay_start_0:
0x88: {  	s2 =	sld [smem:$0x3FD9]  }
0x89: {  	s3 =	sld [smem:$0x3FFE];
	_ =	sdelay $0x1  }
0x8a: {  	s1 =	srdreg.scid  }
0x8b: {  	s0 =	sand.u32 $0x1, s1  }
0x8c: {  	s18 =	sshll.u32 s0, $0xA;
	s2 =	sadd.s32 s3, s2  }
0x8d: {  	s2 =	sadd.s32 s2, s18  }
0x8e: {  	[smem:$0x3FC4] =	sst s2  }
0x8f: {  	_ = 	snop  }
0x90: {  	s2 =	sld [smem:$0x3FC9]  }
0x91: {  	s19 =	sld [smem:$0x3FC8]  }
0x92: {  	s4 =	sld [smem:$0x3FC7]  }
0x93: {  	s5 =	sld [smem:$0x3FC6]  }
0x94: {  	s6 =	sld [smem:$0x3FD0];
	(tm) =	ssettm $0x1  }
0x95: {  	s7 =	sld [smem:$0x3FFB];
	_ =	sdelay $0x3  }
0x96: {  	_ =	strace s7  }
0x97: {  	s7 =	sld [smem:$0x3FFC];
	_ =	sdelay $0x3  }
0x98: {  	_ =	strace s7  }
0x99: {  	s7 =	sld [smem:$0x3FFD];
	_ =	sdelay $0x3  }
0x9a: {  	_ =	strace s7  }
0x9b: {  	_ =	strace $0x8FFFFFFF  }
0x9c: {  	s20 =	sld [smem:$0x3FDB];
	_ =	sdelay $0x1  }
0x9d: {  	s8 =	simm.s32 $_scs_section_size  }
0x9e: {  	s9 =	simm.s32 $_size__tile_overlayer_lowered;
	s10 =	simm.s32 $_tile_overlayer_lowered  }
0x9f: {  	s23 =	simm.s32 $0x1BFF;
	s22 =	sshll.u32 s10, $0x1;
	s7 =	sadd.s32 s8, s20  }
0xa0: {  	s11 =	simm.s32 $0x0;
	s21 =	sshll.u32 s9, $0x1;
	s9 =	sadd.s32 s22, s7  }
0xa1: {  	[timem:s11], [sflag:s23] =	dma.local [hbm:s9], s21  }
0xa2: {  	_ =	swait.ge [sflag:s23], s21  }
0xa3: {  	s8 =	ssub.s32 $0x0, s21;
	[sflag:s23] =	ssyncset.done $0x0  }
0xa4: {  	[sflag:s23] =	ssyncadd.s32 s8;
	_ =	sdelay $0x1  }
0xa5: {  	s24 =	simm.s32 $0x1B8B  }
0xa6: {  	_ =	swait.ge [sflag:s24], $0x1  }
0xa7: {  	[sflag:s24] =	ssyncset.done $0x0  }
0xa8: {  	s25 =	simm.s32 $0x1B8E;
	[sflag:s24] =	ssyncadd.s32 $0xFFFFFFFF  }
0xa9: {  	s26 =	simm.s32 $execute0_lowered;
	[smem:$0x3FD2] =	sst s25  }
0xaa: {  	s8 =	sshll.u32 s26, $0x1;
	_ =	strace $0x80000046;
	[dreg:$0x1] =	wrdreg $0xFFFFFFFF  }
0xab: {  	s28 =	simm.s32 $_size_execute0_lowered;
	s7 =	sadd.s32 s7, s8;
	[dreg:$0x0] =	wrdreg $0x0  }
0xac: {  	s8 =	sshll.u32 s28, $0x1;
	[dreg:$0x2] =	wrdreg s7  }
0xad: {  	[dreg:$0x3] =	wrdreg s8  }
0xae: {  	[dreg:$0x4] =	wrdreg $0xC0  }
0xaf: {  	_ =	task [dreg:s11], $0x5FFFF  }
0xb0: {  	[dreg:$0x1] =	wrdreg $0xFFFFFFFF  }
0xb1: {  	[dreg:$0x0] =	wrdreg $0x60  }
0xb2: {  	[dreg:$0x2] =	wrdreg s2  }
0xb3: {  	[dreg:$0x3] =	wrdreg s19  }
0xb4: {  	[dreg:$0x4] =	wrdreg s4  }
0xb5: {  	[dreg:$0x5] =	wrdreg s5  }
0xb6: {  	[dreg:$0x6] =	wrdreg s6  }
0xb7: {  	[dreg:$0x7] =	wrdreg $0x4000  }
0xb8: {  	[dreg:$0x8] =	wrdreg $0x7200  }
0xb9: {  	[dreg:$0x9] =	wrdreg $0x9  }
0xba: {  	_ =	task.clear_ibuf [dreg:s11], $0xAFFFF;
	_ =	strace $0x90000046  }
0xbb: {  	s29 =	simm.s32 $0x9;
	_ =	strace $0x80000048  }
0xbc: {  	_ =	swait.ge [sflag:s29], $0x1  }
0xbd: {  	[sflag:s29] =	ssyncadd.s32 $0xFFFFFFFF  }
0xbe: {  	_ =	strace $0x90000048  }
0xbf: {  	_ =	sfence  }
0xc0: {  	s30 =	sld [smem:$0x0];
	_ =	sdelay $0x2  }
0xc1: {  	s31 =	sshll.u32 s1, $0xD;
	s1 =	sshrl.u32 s1, $0x2  }
0xc2: {  	s3 =	sand.u32 $0x4000, s31;
	s1 =	sadd.s32 s1, s30  }
0xc3: {  	s0 =	sor.u32 s3, s0;
	s1 =	sshll.u32 s1, $0x11  }
0xc4: {  	s0 =	sor.u32 s1, s0  }
0xc5: {  	s0 =	sadd.s32 $0x8F2B, s0  }
0xc6: {  	[sflag:s0] =	ssyncadd.remote.s32 $0x1  }
0xc7: {  	_ =	sfence.sel $0xFFFF  }
0xc8: {  	[dreg:$0x0] =	wrdreg $0xFFFFFFFF;
	(pc) =	sbr.abs _section_cstart, $3  }
0xc9: {  	[dreg:$0x1] =	wrdreg $0xFFFFFFFF  }
0xca: {  	_ =	task.clear_ibuf [dreg:s11], $0x2FFFF;
	_ =	strace $0x9FFFFFFF  }
0xcb: {  	(tm) =	ssettm $0x7FFFFFFF  }
tec
execute0_lowered:
.L_overlay_start_1:
0x0: {  	(tag) =	ssettag $0x1  }
0x1: {  	s0 =	rddreg [dreg:$0x0]  }
0x2: {  	s14 =	rddreg [dreg:$0x1]  }
0x3: {  	s15 =	rddreg [dreg:$0x2]  }
0x4: {  	s4 =	rddreg [dreg:$0x3]  }
0x5: {  	s5 =	rddreg [dreg:$0x4]  }
0x6: {  	s1 =	srdreg.scid;
	s3 =	rddreg [dreg:$0x5]  }
0x7: {  	s6 =	stileid.u32;
	s2 =	rddreg [dreg:$0x6]  }
0x8: {  	s20 =	simm.s32 $0x100;
	s21 =	simm.s32 $0x180;
	[dreg:$0x8] =	wrdreg s0  }
0x9: {  	[dreg:$0x9] =	wrdreg s14;
	s7 =	sand.u32 $0x1, s1;
	s1 =	simm.s32 $0x0  }
0xa: {  	s8 =	sshll.u32 s6, $0xA;
	s9 =	sshll.u32 s7, $0x9;
	[smem:$0x7FF] =	sst s1  }
0xb: {  	s8 =	sor.u32 s9, s8;
	_ =	strace $0x80000047;
	[dreg:$0x11] =	wrdreg s20  }
0xc: {  	s24 =	simm.s32 $0xCA40;
	[dreg:$0x12] =	wrdreg s21;
	s9 =	sshrl.u32 s8, $0x3  }
0xd: {  	[dreg:$0x13] =	wrdreg s24;
	s8 =	sshll.u32 s8, $0x4;
	s0 =	sadd.s32 s15, s9  }
0xe: {  	s16 =	sadd.s32 s4, s9;
	s4 =	sadd.s32 s5, s8;
	[dreg:$0xa] =	wrdreg s0  }
0xf: {  	[dreg:$0xb] =	wrdreg s16;
	s17 =	sadd.s32 $0x1000, s4  }
0x10: {  	s18 =	sadd.s32 $0x40000, s4;
	[dreg:$0xc] =	wrdreg s17  }
0x11: {  	p0 =	sne.s32 s6, $0x0;
	s19 =	sadd.s32 $0x41000, s4;
	[dreg:$0xd] =	wrdreg s18  }
0x12: {  	s0 =	sshrl.u32 @!p0 s3, $0x3;
	[dreg:$0xe] =	wrdreg s19  }
0x13: {  	[dreg:$0xf] =	wrdreg s0  }
0x14: {  	s22 =	rddreg [dreg:$0xa]  }
0x15: {  	s0 =	sshrl.u32 @!p0 s2, $0x3;
	s23 =	rddreg [dreg:$0xb]  }
0x16: {  	[dreg:$0x10] =	wrdreg s0  }
0x17: {  	s0 =	rddreg [dreg:$0x8]  }
0x18: {  	[tilespmem:s1], [sflag:$0xA] =	stream.linear.gather [hbm4b:s22+s1], $0x200, $0x38;
	[tilespmem:$0x18A40] =	vst v63  }
0x19: {  	s6 =	simm.s32 $0x200;
	s5 =	simm.s32 @!p0 $0x1C0C;
	s10 =	rddreg [dreg:$0xf]  }
0x1a: {  	[tilespmem:s6], [sflag:$0xB] =	stream.linear.gather [hbm4b:s23+s1], $0x200, $0x38;
	[tilespmem:$0x18A40] =	vst v63  }
0x1b: {  	[spmem:s10], [sflag:s5] =	dma.local @!p0 [hbm:s0], $0x640  }
0x1c: {  	s0 =	rddreg [dreg:$0x9]  }
0x1d: {  	s8 =	simm.s32 @!p0 $0x1C0D;
	s17 =	simm.s32 @!p0 $0xC;
	s5 =	rddreg [dreg:$0x10]  }
0x1e: {  	[spmem:s5], [sflag:s8] =	dma.local @!p0 [hbm:s0], $0x640  }
0x1f: {  	_ =	swait.ge @!p0 [sflag:s17], $0x640  }
0x20: {  	s29 =	simm.s32 $0xB;
	[sflag:s17] =	ssyncset.done @!p0 $0x0  }
0x21: {  	s13 =	simm.s32 $0x4A40;
	s19 =	simm.s32 @!p0 $0xD;
	[sflag:s17] =	ssyncadd.s32 @!p0 $0xFFFFF9C0  }
0x22: {  	s11 =	simm.s32 $0x10A40;
	s30 =	simm.s32 $0x14A40;
	_ =	swait.ge @!p0 [sflag:s19], $0x640  }
0x23: {  	s28 =	simm.s32 $0x3;
	s14 =	simm.s32 $0x9;
	[sflag:s19] =	ssyncset.done @!p0 $0x0  }
0x24: {  	s25 =	ssub.s32 $0x2, s7;
	s21 =	simm.s32 $0xA;
	[sflag:s19] =	ssyncadd.s32 @!p0 $0xFFFFF9C0  }
0x25: {  	s7 =	simm.s32 $0x2;
	s26 =	sshrl.u32 s25, $0x1;
	_ =	swait.ge [sflag:s21], $0x200  }
0x26: {  	s24 =	simm.s32 $0x4;
	s20 =	simm.s32 $0x6;
	[sflag:s21] =	ssyncset.done $0x0  }
0x27: {  	s9 =	simm.s32 $0x1;
	s0 =	ssub.s32 s25, s26;
	[sflag:s21] =	ssyncadd.s32 $0xFFFFFE00  }
0x28: {  	s15 =	simm.s32 $0x8;
	s0 =	smax.u32 s0, $0x1;
	_ =	swait.ge [sflag:s29], $0x200  }
0x29: {  	s18 =	simm.s32 $0x8A40;
	s31 =	sadd.s32 $0xFFFFFFFF, s0;
	[sflag:s29] =	ssyncset.done $0x0  }
0x2a: {  	s10 =	simm.s32 $0x80;
	p1 =	sne.s32 s31, $0x0;
	[sflag:s29] =	ssyncadd.s32 $0xFFFFFE00  }
.Ltmp0:
0x2b: {  	s5 =	simm.s32 $0xA40;
	[bflag:$0x0] =	sbarrier.arrive $0xFFFF;
	(pc) =	sbr.rel @!p1 .LBB2_2-.Ltmp0, $4  }
0x2c: {  	[tilespmem:s5], [sflag:$0x1] =	stream.indirect.gather [spmem:s3], $0x80, s1, s10, $0xb8;
	[tilespmem:$0x18A40] =	vst v63  }
0x2d: {  	s22 =	simm.s32 $0x5;
	s26 =	simm.s32 $0x280;
	s0 =	rddreg [dreg:$0x11]  }
0x2e: {  	s8 =	simm.s32 $0x7;
	s25 =	simm.s32 $0x380;
	s12 =	rddreg [dreg:$0x12]  }
0x2f: {  	[tilespmem:s13], [sflag:$0x2] =	stream.indirect.gather [spmem:s3], $0x80, s10, s10, $0xb8;
	[tilespmem:$0x18A40] =	vst v63  }
.LBB2_1:
0x30: {  	[tilespmem:s18], [sflag:$0x3] =	stream.indirect.gather [spmem:s3], $0x80, s0, s10, $0xb8;
	[tilespmem:$0x18A40] =	vst v63  }
0x31: {  	s16 =	rddreg [dreg:$0x13]  }
0x32: {  	[tilespmem:s16], [sflag:$0x4] =	stream.indirect.gather [spmem:s3], $0x80, s12, s10, $0xb8;
	[tilespmem:$0x18A40] =	vst v63  }
0x33: {  	_ =	swait.ge [sflag:s9], $0x4000  }
0x34: {  	[sflag:s9] =	ssyncset.done $0x0  }
0x35: {  	[sflag:s9] =	ssyncadd.s32 $0xFFFFC000  }
0x36: {  	_ =	swait.ge [sflag:s7], $0x4000  }
0x37: {  	[sflag:s7] =	ssyncset.done $0x0  }
0x38: {  	[sflag:s7] =	ssyncadd.s32 $0xFFFFC000  }
0x39: {  	[hbm4b:s4+s1] =	stream.linear.scatter [tilespmem:s5], [sflag:$0x7], $0x8000, $0x38;
	[tilespmem:$0x18A40] =	vst v63  }
0x3a: {  	_ = 	snop  }
0x3b: {  	[tilespmem:s11], [sflag:$0x5] =	stream.indirect.gather [spmem:s2], $0x80, s6, s10, $0xb8;
	[tilespmem:$0x18A40] =	vst v63  }
0x3c: {  	_ = 	snop  }
0x3d: {  	[tilespmem:s30], [sflag:$0x6] =	stream.indirect.gather [spmem:s2], $0x80, s26, s10, $0xb8;
	[tilespmem:$0x18A40] =	vst v63  }
0x3e: {  	_ =	swait.ge [sflag:s28], $0x4000  }
0x3f: {  	[sflag:s28] =	ssyncset.done $0x0  }
0x40: {  	[sflag:s28] =	ssyncadd.s32 $0xFFFFC000  }
0x41: {  	_ =	swait.ge [sflag:s24], $0x4000  }
0x42: {  	[sflag:s24] =	ssyncset.done $0x0  }
0x43: {  	s23 =	rddreg [dreg:$0xc];
	[sflag:s24] =	ssyncadd.s32 $0xFFFFC000  }
0x44: {  	[hbm4b:s23+s1] =	stream.linear.scatter [tilespmem:s18], [sflag:$0x8], $0x8000, $0x38;
	[tilespmem:$0x18A40] =	vst v63  }
0x45: {  	_ =	swait.ge [sflag:s8], $0x8000  }
0x46: {  	[sflag:s8] =	ssyncset.done $0x0  }
0x47: {  	s12 =	simm.s32 $0x300;
	[sflag:s8] =	ssyncadd.s32 $0xFFFF8000  }
0x48: {  	[tilespmem:s5], [sflag:$0x1] =	stream.indirect.gather [spmem:s2], $0x80, s12, s10, $0xb8;
	[tilespmem:$0x18A40] =	vst v63  }
0x49: {  	_ = 	snop  }
0x4a: {  	[tilespmem:s13], [sflag:$0x2] =	stream.indirect.gather [spmem:s2], $0x80, s25, s10, $0xb8;
	[tilespmem:$0x18A40] =	vst v63  }
0x4b: {  	_ =	swait.ge [sflag:s22], $0x4000  }
0x4c: {  	[sflag:s22] =	ssyncset.done $0x0  }
0x4d: {  	[sflag:s22] =	ssyncadd.s32 $0xFFFFC000  }
0x4e: {  	_ =	swait.ge [sflag:s20], $0x4000  }
0x4f: {  	[sflag:s20] =	ssyncset.done $0x0  }
0x50: {  	s16 =	rddreg [dreg:$0xd];
	[sflag:s20] =	ssyncadd.s32 $0xFFFFC000  }
0x51: {  	[hbm4b:s16+s1] =	stream.linear.scatter [tilespmem:s11], [sflag:$0x9], $0x8000, $0x38;
	[tilespmem:$0x18A40] =	vst v63  }
0x52: {  	_ =	swait.ge [sflag:s9], $0x4000  }
0x53: {  	[sflag:s9] =	ssyncset.done $0x0  }
0x54: {  	[sflag:s9] =	ssyncadd.s32 $0xFFFFC000  }
0x55: {  	_ =	swait.ge [sflag:s7], $0x4000  }
0x56: {  	[sflag:s7] =	ssyncset.done $0x0  }
0x57: {  	s23 =	rddreg [dreg:$0xe];
	[sflag:s7] =	ssyncadd.s32 $0xFFFFC000  }
0x58: {  	[hbm4b:s23+s1] =	stream.linear.scatter [tilespmem:s5], [sflag:$0x7], $0x8000, $0x38;
	[tilespmem:$0x18A40] =	vst v63  }
0x59: {  	_ =	swait.ge [sflag:s15], $0x8000  }
0x5a: {  	[sflag:s15] =	ssyncset.done $0x0  }
0x5b: {  	[sflag:s15] =	ssyncadd.s32 $0xFFFF8000  }
0x5c: {  	_ =	swait.ge [sflag:s14], $0x8000  }
0x5d: {  	[sflag:s14] =	ssyncset.done $0x0  }
0x5e: {  	[sflag:s14] =	ssyncadd.s32 $0xFFFF8000  }
0x5f: {  	_ =	swait.ge [sflag:s8], $0x8000  }
0x60: {  	s0 =	rddreg [dreg:$0x8]  }
0x61: {  	[sflag:s8] =	ssyncset.done $0x0;
	s12 =	rddreg [dreg:$0xa]  }
0x62: {  	s16 =	rddreg [dreg:$0xb];
	[sflag:s8] =	ssyncadd.s32 $0xFFFF8000  }
0x63: {  	[tilespmem:s1], [sflag:$0xA] =	stream.linear.gather [hbm4b:s12+s1], $0x200, $0x38;
	[tilespmem:$0x18A40] =	vst v63  }
0x64: {  	s23 =	rddreg [dreg:$0xf];
	s12 =	simm.s32 @!p0 $0x1C0C  }
0x65: {  	[tilespmem:s6], [sflag:$0xB] =	stream.linear.gather [hbm4b:s16+s1], $0x200, $0x38;
	[tilespmem:$0x18A40] =	vst v63  }
0x66: {  	[spmem:s23], [sflag:s12] =	dma.local @!p0 [hbm:s0], $0x640  }
0x67: {  	s0 =	rddreg [dreg:$0x9]  }
0x68: {  	s16 =	simm.s32 @!p0 $0x1C0D;
	s12 =	rddreg [dreg:$0x10]  }
0x69: {  	[spmem:s12], [sflag:s16] =	dma.local @!p0 [hbm:s0], $0x640  }
0x6a: {  	_ =	swait.ge @!p0 [sflag:s17], $0x640  }
0x6b: {  	[sflag:s17] =	ssyncset.done @!p0 $0x0  }
0x6c: {  	[sflag:s17] =	ssyncadd.s32 @!p0 $0xFFFFF9C0  }
0x6d: {  	_ =	swait.ge @!p0 [sflag:s19], $0x640  }
0x6e: {  	[sflag:s19] =	ssyncset.done @!p0 $0x0  }
0x6f: {  	[sflag:s19] =	ssyncadd.s32 @!p0 $0xFFFFF9C0  }
0x70: {  	_ =	swait.ge [sflag:s21], $0x200  }
0x71: {  	[sflag:s21] =	ssyncset.done $0x0  }
0x72: {  	[sflag:s21] =	ssyncadd.s32 $0xFFFFFE00  }
0x73: {  	_ =	swait.ge [sflag:s29], $0x200  }
0x74: {  	s31 =	sadd.s32 $0xFFFFFFFF, s31;
	[sflag:s29] =	ssyncset.done $0x0  }
0x75: {  	p1 =	sne.s32 s31, $0x0;
	[sflag:s29] =	ssyncadd.s32 $0xFFFFFE00  }
.Ltmp1:
0x76: {  	[bflag:$0x0] =	sbarrier.arrive $0xFFFF;
	(pc) =	sbr.rel @p1 .LBB2_1-.Ltmp1, $4  }
0x77: {  	[tilespmem:s5], [sflag:$0x1] =	stream.indirect.gather [spmem:s3], $0x80, s1, s10, $0xb8;
	[tilespmem:$0x18A40] =	vst v63  }
0x78: {  	s0 =	rddreg [dreg:$0x11]  }
0x79: {  	s12 =	rddreg [dreg:$0x12]  }
0x7a: {  	[tilespmem:s13], [sflag:$0x2] =	stream.indirect.gather [spmem:s3], $0x80, s10, s10, $0xb8;
	[tilespmem:$0x18A40] =	vst v63  }
.LBB2_2:
0x7b: {  	[tilespmem:s18], [sflag:$0x3] =	stream.indirect.gather [spmem:s3], $0x80, s0, s10, $0xb8;
	[tilespmem:$0x18A40] =	vst v63  }
0x7c: {  	s16 =	rddreg [dreg:$0x13]  }
0x7d: {  	[tilespmem:s16], [sflag:$0x4] =	stream.indirect.gather [spmem:s3], $0x80, s12, s10, $0xb8;
	[tilespmem:$0x18A40] =	vst v63  }
0x7e: {  	_ =	swait.ge [sflag:s9], $0x4000  }
0x7f: {  	[sflag:s9] =	ssyncset.done $0x0  }
0x80: {  	[sflag:s9] =	ssyncadd.s32 $0xFFFFC000  }
0x81: {  	_ =	swait.ge [sflag:s7], $0x4000  }
0x82: {  	[sflag:s7] =	ssyncset.done $0x0  }
0x83: {  	[sflag:s7] =	ssyncadd.s32 $0xFFFFC000  }
0x84: {  	[hbm4b:s4+s1] =	stream.linear.scatter [tilespmem:s5], [sflag:$0x7], $0x8000, $0x38;
	[tilespmem:$0x18A40] =	vst v63  }
0x85: {  	_ = 	snop  }
0x86: {  	[tilespmem:s11], [sflag:$0x5] =	stream.indirect.gather [spmem:s2], $0x80, s6, s10, $0xb8;
	[tilespmem:$0x18A40] =	vst v63  }
0x87: {  	_ = 	snop  }
0x88: {  	[tilespmem:s30], [sflag:$0x6] =	stream.indirect.gather [spmem:s2], $0x80, s26, s10, $0xb8;
	[tilespmem:$0x18A40] =	vst v63  }
0x89: {  	_ =	swait.ge [sflag:s28], $0x4000  }
0x8a: {  	[sflag:s28] =	ssyncset.done $0x0  }
0x8b: {  	[sflag:s28] =	ssyncadd.s32 $0xFFFFC000  }
0x8c: {  	_ =	swait.ge [sflag:s24], $0x4000  }
0x8d: {  	[sflag:s24] =	ssyncset.done $0x0  }
0x8e: {  	s28 =	rddreg [dreg:$0xc];
	[sflag:s24] =	ssyncadd.s32 $0xFFFFC000  }
0x8f: {  	[hbm4b:s28+s1] =	stream.linear.scatter [tilespmem:s18], [sflag:$0x8], $0x8000, $0x38;
	[tilespmem:$0x18A40] =	vst v63  }
0x90: {  	_ =	swait.ge [sflag:s8], $0x8000  }
0x91: {  	[sflag:s8] =	ssyncset.done $0x0  }
0x92: {  	s29 =	simm.s32 $0x300;
	[sflag:s8] =	ssyncadd.s32 $0xFFFF8000  }
0x93: {  	[tilespmem:s5], [sflag:$0x1] =	stream.indirect.gather [spmem:s2], $0x80, s29, s10, $0xb8;
	[tilespmem:$0x18A40] =	vst v63  }
0x94: {  	_ = 	snop  }
0x95: {  	[tilespmem:s13], [sflag:$0x2] =	stream.indirect.gather [spmem:s2], $0x80, s25, s10, $0xb8;
	[tilespmem:$0x18A40] =	vst v63  }
0x96: {  	_ =	swait.ge [sflag:s22], $0x4000  }
0x97: {  	[sflag:s22] =	ssyncset.done $0x0  }
0x98: {  	[sflag:s22] =	ssyncadd.s32 $0xFFFFC000  }
0x99: {  	_ =	swait.ge [sflag:s20], $0x4000  }
0x9a: {  	[sflag:s20] =	ssyncset.done $0x0  }
0x9b: {  	s30 =	rddreg [dreg:$0xd];
	[sflag:s20] =	ssyncadd.s32 $0xFFFFC000  }
0x9c: {  	[hbm4b:s30+s1] =	stream.linear.scatter [tilespmem:s11], [sflag:$0x9], $0x8000, $0x38;
	[tilespmem:$0x18A40] =	vst v63  }
0x9d: {  	_ =	swait.ge [sflag:s9], $0x4000  }
0x9e: {  	[sflag:s9] =	ssyncset.done $0x0  }
0x9f: {  	[sflag:s9] =	ssyncadd.s32 $0xFFFFC000  }
0xa0: {  	_ =	swait.ge [sflag:s7], $0x4000  }
0xa1: {  	[sflag:s7] =	ssyncset.done $0x0  }
0xa2: {  	s31 =	rddreg [dreg:$0xe];
	[sflag:s7] =	ssyncadd.s32 $0xFFFFC000  }
0xa3: {  	[hbm4b:s31+s1] =	stream.linear.scatter [tilespmem:s5], [sflag:$0x7], $0x8000, $0x38;
	[tilespmem:$0x18A40] =	vst v63  }
0xa4: {  	_ =	swait.ge [sflag:s15], $0x8000  }
0xa5: {  	[sflag:s15] =	ssyncset.done $0x0  }
0xa6: {  	[sflag:s15] =	ssyncadd.s32 $0xFFFF8000  }
0xa7: {  	_ =	swait.ge [sflag:s14], $0x8000  }
0xa8: {  	[sflag:s14] =	ssyncset.done $0x0  }
0xa9: {  	[sflag:s14] =	ssyncadd.s32 $0xFFFF8000  }
0xaa: {  	_ =	swait.ge [sflag:s8], $0x8000  }
0xab: {  	[sflag:s8] =	ssyncset.done $0x0  }
0xac: {  	[sflag:s8] =	ssyncadd.s32 $0xFFFF8000  }
0xad: {  	_ =	sfence.sel $0x180000  }
0xae: {  	[bflag:$0x0] =	sbarrier.arrive $0xFFFF  }
0xaf: {  	_ =	strace $0x90000047  }
0xb0: {  	[bflag:$0x2] =	sbarrier.arrive $0xFFFF  }
0xb1: {  	s0 =	rddreg [dreg:$0x7]  }
0xb2: {  	s0 =	sadd.s32 @!p0 $0x100000, s0  }
0xb3: {  	[sflag:s0] =	ssyncadd.tile.s32 @!p0 $0x1;
	_ =	shalt  }
.Lfunc_end2:
_tile_overlayer_lowered:
.L_overlay_start_2:
0xb4: {  	(tag) =	ssettag $0x2  }
0xb5: {  	s0 =	rddreg [dreg:$0x0];
	s2 =	stileid.u32  }
0xb6: {  	s1 =	rddreg [dreg:$0x1];
	p0 =	sne.s32 s2, $0x0  }
0xb7: {  	s3 =	rddreg [dreg:$0x2];
	[bflag:$0x3] =	sbarrier.arrive $0xFFFF;
	s2 =	simm.s32 @!p0 $0x1C0E  }
0xb8: {  	[timem:s3], [sflag:s2] =	dma.local @!p0 [hbm:s0], s1  }
0xb9: {  	s0 =	simm.s32 @!p0 $0xE  }
0xba: {  	_ =	swait.ge @!p0 [sflag:s0], s1  }
0xbb: {  	s1 =	ssub.s32 @!p0 $0x0, s1;
	[sflag:s0] =	ssyncset.done @!p0 $0x0  }
0xbc: {  	[sflag:s0] =	ssyncadd.s32 @!p0 s1  }
0xbd: {  	[bflag:$0x3] =	sbarrier.arrive $0xFFFF  }
0xbe: {  	_ =	shalt  }

</sc_bundles>
